<compile_context>
chip_gen: v7x
topology: tpu7x:2x2x1
jax: 0.10.2.dev20260603
libtpu: 0.0.44.dev20260713+nightly
codegen_flags: <defaults>
</compile_context>

<pallas_src>
import functools

import jax
import jax.numpy as jnp
from jax import lax
from jax.experimental import pallas as pl
from jax.experimental.pallas import tpu as pltpu
from jax.experimental.pallas import tpu_sc as plsc

_D = 32
_TT = 20
_MT = 50

_NC, _NS = 2, 16
_NW = _NC * _NS
_CH = 128


def _sc_gather(user_table, item_table, user_time_table, item_time_table, ui, ii):
    b = ui.shape[0]
    rows_w = b // _NW
    nchunk = rows_w // _CH
    niter = _CH // 16
    mesh = plsc.VectorSubcoreMesh(core_axis_name="c", subcore_axis_name="s")

    @functools.partial(
        pl.kernel,
        out_type=[
            jax.ShapeDtypeStruct((b, _D), jnp.float32),
            jax.ShapeDtypeStruct((b, _D), jnp.float32),
            jax.ShapeDtypeStruct((b, _MT), jnp.float32),
            jax.ShapeDtypeStruct((b, _MT), jnp.float32),
        ],
        mesh=mesh,
        scratch_types=[
            pltpu.VMEM((rows_w,), jnp.int32),
            pltpu.VMEM((rows_w,), jnp.int32),
            pltpu.VMEM((_CH, _D), jnp.float32),
            pltpu.VMEM((_CH, _D), jnp.float32),
            pltpu.VMEM((_CH, _MT), jnp.float32),
            pltpu.VMEM((_CH, _MT), jnp.float32),
            pltpu.SemaphoreType.DMA,
            pltpu.SemaphoreType.DMA,
            pltpu.SemaphoreType.DMA,
            pltpu.SemaphoreType.DMA,
        ],
    )
    def k(ut_hbm, it_hbm, utt_hbm, itt_hbm, ui_hbm, ii_hbm,
          ue_hbm, ie_hbm, ute_hbm, ite_hbm,
          uidx_v, iidx_v, ue_v, ie_v, ute_v, ite_v, s0, s1, s2, s3):
        wid = lax.axis_index("s") * _NC + lax.axis_index("c")
        base = wid * rows_w
        pltpu.sync_copy(ui_hbm.at[pl.ds(base, rows_w)], uidx_v)
        pltpu.sync_copy(ii_hbm.at[pl.ds(base, rows_w)], iidx_v)

        def chunk(c, _):
            def body(t, _unused):
                vu = uidx_v[pl.ds(c * _CH + t * 16, 16)]
                vi = iidx_v[pl.ds(c * _CH + t * 16, 16)]
                for j in range(16):
                    r = t * 16 + j
                    iu = vu[j]
                    iv = vi[j]
                    pltpu.async_copy(ut_hbm.at[pl.ds(iu, 1)], ue_v.at[pl.ds(r, 1)], s0)
                    pltpu.async_copy(it_hbm.at[pl.ds(iv, 1)], ie_v.at[pl.ds(r, 1)], s1)
                    pltpu.async_copy(utt_hbm.at[pl.ds(iu, 1)], ute_v.at[pl.ds(r, 1)], s2)
                    pltpu.async_copy(itt_hbm.at[pl.ds(iv, 1)], ite_v.at[pl.ds(r, 1)], s3)
                return 0

            lax.fori_loop(0, niter, body, 0)

            pltpu.make_async_copy(ut_hbm.at[pl.ds(0, _CH)], ue_v, s0).wait()
            pltpu.make_async_copy(it_hbm.at[pl.ds(0, _CH)], ie_v, s1).wait()
            pltpu.make_async_copy(utt_hbm.at[pl.ds(0, _CH)], ute_v, s2).wait()
            pltpu.make_async_copy(itt_hbm.at[pl.ds(0, _CH)], ite_v, s3).wait()

            cbase = base + c * _CH
            pltpu.sync_copy(ue_v, ue_hbm.at[pl.ds(cbase, _CH)])
            pltpu.sync_copy(ie_v, ie_hbm.at[pl.ds(cbase, _CH)])
            pltpu.sync_copy(ute_v, ute_hbm.at[pl.ds(cbase, _CH)])
            pltpu.sync_copy(ite_v, ite_hbm.at[pl.ds(cbase, _CH)])
            return 0

        lax.fori_loop(0, nchunk, chunk, 0)

    return k(user_table, item_table, user_time_table, item_time_table, ui, ii)


def _tc_body(ue, ie, ute, ite, utr, itr, w1, b1, w2, b2, gm, tm, reg):
    u = ue[...]
    v = ie[...]
    gm[...] = jax.nn.sigmoid(jnp.sum(u * v, axis=1))

    def mlp(t):
        h = jnp.maximum(jnp.dot(t, w1[...], preferred_element_type=jnp.float32) + b1[...], 0.0)
        return jnp.dot(h, w2[...], preferred_element_type=jnp.float32) + b2[...]

    utv = ute[...]
    itv = ite[...]
    ut = utr[...]
    it_ = itr[...]
    td = (jnp.sum(utv[:, :_TT] * ut, axis=1) + jnp.sum(utv[:, _TT:] * mlp(ut), axis=1)
          + jnp.sum(itv[:, :_TT] * it_, axis=1) + jnp.sum(itv[:, _TT:] * mlp(it_), axis=1))
    tm[...] = jax.nn.sigmoid(td)

    n = pl.num_programs(0) * u.shape[0]
    part = (jnp.sum(u * u) + jnp.sum(v * v) + jnp.sum(utv * utv) + jnp.sum(itv * itv)) * (0.5 / n)

    @pl.when(pl.program_id(0) == 0)
    def _():
        reg[...] = jnp.zeros_like(reg)

    reg[...] += part


def _tc_stage(ue, ie, ute, ite, user_trends, item_trends, w1, b1, w2, b2,
              interpret=False):
    b = ue.shape[0]
    bl = 2048
    grid = (b // bl,)
    return pl.pallas_call(
        _tc_body,
        grid=grid,
        in_specs=[
            pl.BlockSpec((bl, _D), lambda i: (i, 0)),
            pl.BlockSpec((bl, _D), lambda i: (i, 0)),
            pl.BlockSpec((bl, _MT), lambda i: (i, 0)),
            pl.BlockSpec((bl, _MT), lambda i: (i, 0)),
            pl.BlockSpec((bl, _TT), lambda i: (i, 0)),
            pl.BlockSpec((bl, _TT), lambda i: (i, 0)),
            pl.BlockSpec((_TT, _D), lambda i: (0, 0)),
            pl.BlockSpec((1, _D), lambda i: (0, 0)),
            pl.BlockSpec((_D, _MT - _TT), lambda i: (0, 0)),
            pl.BlockSpec((1, _MT - _TT), lambda i: (0, 0)),
        ],
        out_specs=[
            pl.BlockSpec((bl,), lambda i: (i,)),
            pl.BlockSpec((bl,), lambda i: (i,)),
            pl.BlockSpec((1, 1), lambda i: (0, 0)),
        ],
        out_shape=[
            jax.ShapeDtypeStruct((b,), jnp.float32),
            jax.ShapeDtypeStruct((b,), jnp.float32),
            jax.ShapeDtypeStruct((1, 1), jnp.float32),
        ],
        interpret=interpret,
    )(ue, ie, ute, ite, user_trends, item_trends,
      w1, b1.reshape(1, -1), w2, b2.reshape(1, -1))


def kernel(user_indices, item_indices, time_diffs, user_trends, item_trends,
           user_table, item_table, user_time_table, item_time_table, W1, b1, W2, b2):
    del time_diffs
    ui = user_indices.astype(jnp.int32)
    ii = item_indices.astype(jnp.int32)
    ue, ie, ute, ite = _sc_gather(user_table, item_table,
                                  user_time_table, item_time_table, ui, ii)
    gm, tm, reg = _tc_stage(ue, ie, ute, ite, user_trends, item_trends, W1, b1, W2, b2)
    return gm, tm, reg[0, 0]

# --- scband reference (transcript-rebuilt; emitter-appended) ---
"""Pipeline reference for scband-mf-crib-56942676411080 (READ-ONLY COPY).

The authoritative reference and input builder live on the scoring server;
editing this copy changes nothing except your own understanding.
"""

import jax, jax.numpy as jnp
import numpy as np

B = 16384
NU, NI, D, TT, MT = 1000000, 100000, 32, 20, 50

def setup_inputs(seed: int = 0) -> dict:
    key = jax.random.key(seed)
    ks = jax.random.split(key, 12)
    user_indices = jax.random.randint(ks[0], (B,), 0, NU, dtype=jnp.int64 if jax.config.jax_enable_x64 else jnp.int32)
    item_indices = jax.random.randint(ks[1], (B,), 0, NI, dtype=jnp.int64 if jax.config.jax_enable_x64 else jnp.int32)
    time_diffs = jax.random.normal(ks[2], (B,), dtype=jnp.float32)
    user_trends = jax.random.normal(ks[3], (B, TT), dtype=jnp.float32)
    item_trends = jax.random.normal(ks[4], (B, TT), dtype=jnp.float32)
    user_table = 0.01 * jax.random.normal(ks[5], (NU, D), dtype=jnp.float32)
    item_table = 0.01 * jax.random.normal(ks[6], (NI, D), dtype=jnp.float32)
    user_time_table = 0.01 * jax.random.normal(ks[7], (NU, MT), dtype=jnp.float32)
    item_time_table = 0.01 * jax.random.normal(ks[8], (NI, MT), dtype=jnp.float32)
    W1 = jax.random.normal(ks[9], (TT, 32), dtype=jnp.float32) / np.sqrt(TT)
    b1 = jnp.zeros((32,), dtype=jnp.float32)
    W2 = jax.random.normal(ks[10], (32, MT - TT), dtype=jnp.float32) / np.sqrt(32)
    b2 = jnp.zeros((MT - TT,), dtype=jnp.float32)
    return {
        'user_indices': user_indices, 'item_indices': item_indices,
        'time_diffs': time_diffs, 'user_trends': user_trends, 'item_trends': item_trends,
        'user_table': user_table, 'item_table': item_table,
        'user_time_table': user_time_table, 'item_time_table': item_time_table,
        'W1': W1, 'b1': b1, 'W2': W2, 'b2': b2,
    }

def reference(user_indices, item_indices, time_diffs, user_trends, item_trends,
              user_table, item_table, user_time_table, item_time_table, W1, b1, W2, b2):
    # gathers (embedding lookups)
    user_emb = jnp.take(user_table, user_indices, axis=0)
    item_emb = jnp.take(item_table, item_indices, axis=0)
    global_match = jnp.sum(user_emb * item_emb, axis=-1)
    user_time_emb = jnp.take(user_time_table, user_indices, axis=0)
    item_time_emb = jnp.take(item_time_table, item_indices, axis=0)
    # MLP (dropout is identity in eval)
    def mlp(t):
        return jnp.maximum(t @ W1 + b1, 0.0) @ W2 + b2
    user_trends_full = jnp.concatenate([user_trends, mlp(user_trends)], axis=1)
    item_trends_full = jnp.concatenate([item_trends, mlp(item_trends)], axis=1)
    user_time_match = jnp.sum(user_time_emb * user_trends_full, axis=-1)
    item_time_match = jnp.sum(item_time_emb * item_trends_full, axis=-1)
    n = user_indices.shape[0]
    reg_loss = 0.5 * (jnp.sum(user_emb ** 2) + jnp.sum(item_emb ** 2)
                      + jnp.sum(user_time_emb ** 2) + jnp.sum(item_time_emb ** 2)) / float(n)
    return (jax.nn.sigmoid(global_match), jax.nn.sigmoid(user_time_match + item_time_match), reg_loss)

if __name__ == "__main__":
    import jax
    _d = setup_inputs()
    print(jax.jit(kernel)(*tuple(_d.values())))

</pallas_src>

<mosaic_0001>
#map = affine_map<(d0, d1) -> (0, 0)>
#map1 = affine_map<(d0, d1) -> (0)>
module attributes {stable_mosaic.version = 14 : i64} {
  func.func @k(%arg0: i32, %arg1: i32, %arg2: memref<1000000x32xf32, #tpu.memory_space<hbm>>, %arg3: memref<100000x32xf32, #tpu.memory_space<hbm>>, %arg4: memref<1000000x50xf32, #tpu.memory_space<hbm>>, %arg5: memref<100000x50xf32, #tpu.memory_space<hbm>>, %arg6: memref<16384xi32, #tpu.memory_space<hbm>>, %arg7: memref<16384xi32, #tpu.memory_space<hbm>>, %arg8: memref<16384x32xf32, #tpu.memory_space<hbm>>, %arg9: memref<16384x32xf32, #tpu.memory_space<hbm>>, %arg10: memref<16384x50xf32, #tpu.memory_space<hbm>>, %arg11: memref<16384x50xf32, #tpu.memory_space<hbm>>, %arg12: memref<512xi32, #tpu.memory_space<vmem>>, %arg13: memref<512xi32, #tpu.memory_space<vmem>>, %arg14: memref<128x32xf32, #tpu.memory_space<vmem>>, %arg15: memref<128x32xf32, #tpu.memory_space<vmem>>, %arg16: memref<128x50xf32, #tpu.memory_space<vmem>>, %arg17: memref<128x50xf32, #tpu.memory_space<vmem>>, %arg18: memref<!tpu.dma_semaphore, #tpu.memory_space<semaphore_mem>>, %arg19: memref<!tpu.dma_semaphore, #tpu.memory_space<semaphore_mem>>, %arg20: memref<!tpu.dma_semaphore, #tpu.memory_space<semaphore_mem>>, %arg21: memref<!tpu.dma_semaphore, #tpu.memory_space<semaphore_mem>>) attributes {dimension_semantics = [#tpu.dimension_semantics<core_parallel>, #tpu.dimension_semantics<subcore_parallel>], iteration_bounds = array<i64: 2, 16>, scalar_prefetch = 0 : i64, scratch_operands = 10 : i64, tpu.core_type = #tpu.core_type<sc_vector_subcore>, window_params = [{transform_indices = #map}, {transform_indices = #map}, {transform_indices = #map}, {transform_indices = #map}, {transform_indices = #map1}, {transform_indices = #map1}, {transform_indices = #map}, {transform_indices = #map}, {transform_indices = #map}, {transform_indices = #map}]} {
    %mul3A = arith.constant 2 : i32
    %mul3A_0 = arith.muli %arg1, %mul3A : i32
    %add3A = arith.addi %mul3A_0, %arg0 : i32
    %mul3A_1 = arith.constant 512 : i32
    %mul3A_2 = arith.muli %add3A, %mul3A_1 : i32
    "tpu.region"() ({
      %run_scoped3A = tpu.sem_alloc : memref<!tpu.dma_semaphore, #tpu.memory_space<semaphore_mem>>
      %dma_start3A = tpu.memref_slice %arg6[%mul3A_2] : memref<16384xi32, #tpu.memory_space<hbm>> -> memref<512xi32, #tpu.memory_space<hbm>>
      %dma_start3A_9 = tpu.memref_slice %arg6[%mul3A_2] : memref<16384xi32, #tpu.memory_space<hbm>> -> memref<512xi32, #tpu.memory_space<hbm>>
      tpu.enqueue_dma source(%dma_start3A_9 : memref<512xi32, #tpu.memory_space<hbm>>) target(%arg12 : memref<512xi32, #tpu.memory_space<vmem>>) target_semaphore(%run_scoped3A : memref<!tpu.dma_semaphore, #tpu.memory_space<semaphore_mem>>)
      %dma_wait3A = tpu.memref_slice %arg6[%mul3A_2] : memref<16384xi32, #tpu.memory_space<hbm>> -> memref<512xi32, #tpu.memory_space<hbm>>
      %dma_wait3A_10 = tpu.memref_slice %arg6[%mul3A_2] : memref<16384xi32, #tpu.memory_space<hbm>> -> memref<512xi32, #tpu.memory_space<hbm>>
      tpu.wait_dma2 semaphore(%run_scoped3A : memref<!tpu.dma_semaphore, #tpu.memory_space<semaphore_mem>>) src(%dma_wait3A_10 : memref<512xi32, #tpu.memory_space<hbm>>) dst(%arg12 : memref<512xi32, #tpu.memory_space<vmem>>)
      tpu.yield
    }) : () -> ()
    "tpu.region"() ({
      %run_scoped3A = tpu.sem_alloc : memref<!tpu.dma_semaphore, #tpu.memory_space<semaphore_mem>>
      %dma_start3A = tpu.memref_slice %arg7[%mul3A_2] : memref<16384xi32, #tpu.memory_space<hbm>> -> memref<512xi32, #tpu.memory_space<hbm>>
      %dma_start3A_9 = tpu.memref_slice %arg7[%mul3A_2] : memref<16384xi32, #tpu.memory_space<hbm>> -> memref<512xi32, #tpu.memory_space<hbm>>
      tpu.enqueue_dma source(%dma_start3A_9 : memref<512xi32, #tpu.memory_space<hbm>>) target(%arg13 : memref<512xi32, #tpu.memory_space<vmem>>) target_semaphore(%run_scoped3A : memref<!tpu.dma_semaphore, #tpu.memory_space<semaphore_mem>>)
      %dma_wait3A = tpu.memref_slice %arg7[%mul3A_2] : memref<16384xi32, #tpu.memory_space<hbm>> -> memref<512xi32, #tpu.memory_space<hbm>>
      %dma_wait3A_10 = tpu.memref_slice %arg7[%mul3A_2] : memref<16384xi32, #tpu.memory_space<hbm>> -> memref<512xi32, #tpu.memory_space<hbm>>
      tpu.wait_dma2 semaphore(%run_scoped3A : memref<!tpu.dma_semaphore, #tpu.memory_space<semaphore_mem>>) src(%dma_wait3A_10 : memref<512xi32, #tpu.memory_space<hbm>>) dst(%arg13 : memref<512xi32, #tpu.memory_space<vmem>>)
      tpu.yield
    }) : () -> ()
    %scan3A = arith.constant 0 : i32
    %scan3A_3 = arith.constant 0 : i32
    %scan3A_4 = arith.constant 4 : i32
    %scan3A_5 = arith.addi %scan3A_3, %scan3A_4 : i32
    %scan3A_6 = arith.constant 1 : i32
    %scan3A_7 = scf.for %scan3A_9 = %scan3A_3 to %scan3A_5 step %scan3A_6 iter_args(%scan3A_10 = %scan3A) -> (i32)  : i32 {
      %scan3A_11 = arith.constant 0 : i32
      %scan3A_12 = arith.constant 0 : i32
      %scan3A_13 = arith.constant 8 : i32
      %scan3A_14 = arith.addi %scan3A_12, %scan3A_13 : i32
      %scan3A_15 = arith.constant 1 : i32
      %scan3A_16 = scf.for %scan3A_45 = %scan3A_12 to %scan3A_14 step %scan3A_15 iter_args(%scan3A_46 = %scan3A_11) -> (i32)  : i32 {
        %mul3A_47 = arith.constant 128 : i32
        %mul3A_48 = arith.muli %scan3A_9, %mul3A_47 : i32
        %mul3A_49 = arith.constant 16 : i32
        %mul3A_50 = arith.muli %scan3A_45, %mul3A_49 : i32
        %add3A_51 = arith.addi %mul3A_48, %mul3A_50 : i32
        %get3A = arith.index_cast %add3A_51 : i32 to index
        %get3A_52 = tpu.vector_load %arg12[%get3A] {strides = array<i32>} : memref<512xi32, #tpu.memory_space<vmem>>, vector<16xi32>,
        %get3A_53 = vector.shape_cast %get3A_52 : vector<16xi32> to vector<16xi32>
        %mul3A_54 = arith.constant 128 : i32
        %mul3A_55 = arith.muli %scan3A_9, %mul3A_54 : i32
        %mul3A_56 = arith.constant 16 : i32
        %mul3A_57 = arith.muli %scan3A_45, %mul3A_56 : i32
        %add3A_58 = arith.addi %mul3A_55, %mul3A_57 : i32
        %get3A_59 = arith.index_cast %add3A_58 : i32 to index
        %get3A_60 = tpu.vector_load %arg13[%get3A_59] {strides = array<i32>} : memref<512xi32, #tpu.memory_space<vmem>>, vector<16xi32>,
        %get3A_61 = vector.shape_cast %get3A_60 : vector<16xi32> to vector<16xi32>
        %mul3A_62 = arith.constant 16 : i32
        %mul3A_63 = arith.muli %scan3A_45, %mul3A_62 : i32
        %add3A_64 = arith.constant 0 : i32
        %add3A_65 = arith.addi %mul3A_63, %add3A_64 : i32
        %slice3A = vector.extract_strided_slice %get3A_53 {offsets = [0], sizes = [1], strides = [1]} : vector<16xi32> to vector<1xi32>
        %squeeze3A = vector.extract %slice3A[0] : i32 from vector<1xi32>
        %slice3A_66 = vector.extract_strided_slice %get3A_61 {offsets = [0], sizes = [1], strides = [1]} : vector<16xi32> to vector<1xi32>
        %squeeze3A_67 = vector.extract %slice3A_66[0] : i32 from vector<1xi32>
        %dma_start3A = arith.constant 0 : i32
        %dma_start3A_68 = tpu.memref_slice %arg14[%add3A_65, %dma_start3A] : memref<128x32xf32, #tpu.memory_space<vmem>> -> memref<1x32xf32, #tpu.memory_space<vmem>>
        %dma_start3A_69 = arith.constant 0 : i32
        %dma_start3A_70 = tpu.memref_slice %arg2[%squeeze3A, %dma_start3A_69] : memref<1000000x32xf32, #tpu.memory_space<hbm>> -> memref<1x32xf32, #tpu.memory_space<hbm>>
        %dma_start3A_71 = arith.constant 0 : i32
        %dma_start3A_72 = tpu.memref_slice %arg14[%add3A_65, %dma_start3A_71] : memref<128x32xf32, #tpu.memory_space<vmem>> -> memref<1x32xf32, #tpu.memory_space<vmem>>
        %dma_start3A_73 = arith.constant 0 : i32
        %dma_start3A_74 = tpu.memref_slice %arg2[%squeeze3A, %dma_start3A_73] : memref<1000000x32xf32, #tpu.memory_space<hbm>> -> memref<1x32xf32, #tpu.memory_space<hbm>>
        tpu.enqueue_dma source(%dma_start3A_74 : memref<1x32xf32, #tpu.memory_space<hbm>>) target(%dma_start3A_72 : memref<1x32xf32, #tpu.memory_space<vmem>>) target_semaphore(%arg18 : memref<!tpu.dma_semaphore, #tpu.memory_space<semaphore_mem>>)
        %dma_start3A_75 = arith.constant 0 : i32
        %dma_start3A_76 = tpu.memref_slice %arg15[%add3A_65, %dma_start3A_75] : memref<128x32xf32, #tpu.memory_space<vmem>> -> memref<1x32xf32, #tpu.memory_space<vmem>>
        %dma_start3A_77 = arith.constant 0 : i32
        %dma_start3A_78 = tpu.memref_slice %arg3[%squeeze3A_67, %dma_start3A_77] : memref<100000x32xf32, #tpu.memory_space<hbm>> -> memref<1x32xf32, #tpu.memory_space<hbm>>
        %dma_start3A_79 = arith.constant 0 : i32
        %dma_start3A_80 = tpu.memref_slice %arg15[%add3A_65, %dma_start3A_79] : memref<128x32xf32, #tpu.memory_space<vmem>> -> memref<1x32xf32, #tpu.memory_space<vmem>>
        %dma_start3A_81 = arith.constant 0 : i32
        %dma_start3A_82 = tpu.memref_slice %arg3[%squeeze3A_67, %dma_start3A_81] : memref<100000x32xf32, #tpu.memory_space<hbm>> -> memref<1x32xf32, #tpu.memory_space<hbm>>
        tpu.enqueue_dma source(%dma_start3A_82 : memref<1x32xf32, #tpu.memory_space<hbm>>) target(%dma_start3A_80 : memref<1x32xf32, #tpu.memory_space<vmem>>) target_semaphore(%arg19 : memref<!tpu.dma_semaphore, #tpu.memory_space<semaphore_mem>>)
        %dma_start3A_83 = arith.constant 0 : i32
        %dma_start3A_84 = tpu.memref_slice %arg16[%add3A_65, %dma_start3A_83] : memref<128x50xf32, #tpu.memory_space<vmem>> -> memref<1x50xf32, #tpu.memory_space<vmem>>
        %dma_start3A_85 = arith.constant 0 : i32
        %dma_start3A_86 = tpu.memref_slice %arg4[%squeeze3A, %dma_start3A_85] : memref<1000000x50xf32, #tpu.memory_space<hbm>> -> memref<1x50xf32, #tpu.memory_space<hbm>>
        %dma_start3A_87 = arith.constant 0 : i32
        %dma_start3A_88 = tpu.memref_slice %arg16[%add3A_65, %dma_start3A_87] : memref<128x50xf32, #tpu.memory_space<vmem>> -> memref<1x50xf32, #tpu.memory_space<vmem>>
        %dma_start3A_89 = arith.constant 0 : i32
        %dma_start3A_90 = tpu.memref_slice %arg4[%squeeze3A, %dma_start3A_89] : memref<1000000x50xf32, #tpu.memory_space<hbm>> -> memref<1x50xf32, #tpu.memory_space<hbm>>
        tpu.enqueue_dma source(%dma_start3A_90 : memref<1x50xf32, #tpu.memory_space<hbm>>) target(%dma_start3A_88 : memref<1x50xf32, #tpu.memory_space<vmem>>) target_semaphore(%arg20 : memref<!tpu.dma_semaphore, #tpu.memory_space<semaphore_mem>>)
        %dma_start3A_91 = arith.constant 0 : i32
        %dma_start3A_92 = tpu.memref_slice %arg17[%add3A_65, %dma_start3A_91] : memref<128x50xf32, #tpu.memory_space<vmem>> -> memref<1x50xf32, #tpu.memory_space<vmem>>
        %dma_start3A_93 = arith.constant 0 : i32
        %dma_start3A_94 = tpu.memref_slice %arg5[%squeeze3A_67, %dma_start3A_93] : memref<100000x50xf32, #tpu.memory_space<hbm>> -> memref<1x50xf32, #tpu.memory_space<hbm>>
        %dma_start3A_95 = arith.constant 0 : i32
        %dma_start3A_96 = tpu.memref_slice %arg17[%add3A_65, %dma_start3A_95] : memref<128x50xf32, #tpu.memory_space<vmem>> -> memref<1x50xf32, #tpu.memory_space<vmem>>
        %dma_start3A_97 = arith.constant 0 : i32
        %dma_start3A_98 = tpu.memref_slice %arg5[%squeeze3A_67, %dma_start3A_97] : memref<100000x50xf32, #tpu.memory_space<hbm>> -> memref<1x50xf32, #tpu.memory_space<hbm>>
        tpu.enqueue_dma source(%dma_start3A_98 : memref<1x50xf32, #tpu.memory_space<hbm>>) target(%dma_start3A_96 : memref<1x50xf32, #tpu.memory_space<vmem>>) target_semaphore(%arg21 : memref<!tpu.dma_semaphore, #tpu.memory_space<semaphore_mem>>)
        %mul3A_99 = arith.constant 16 : i32
        %mul3A_100 = arith.muli %scan3A_45, %mul3A_99 : i32
        %add3A_101 = arith.constant 1 : i32
        %add3A_102 = arith.addi %mul3A_100, %add3A_101 : i32
        %slice3A_103 = vector.extract_strided_slice %get3A_53 {offsets = [1], sizes = [1], strides = [1]} : vector<16xi32> to vector<1xi32>
        %squeeze3A_104 = vector.extract %slice3A_103[0] : i32 from vector<1xi32>
        %slice3A_105 = vector.extract_strided_slice %get3A_61 {offsets = [1], sizes = [1], strides = [1]} : vector<16xi32> to vector<1xi32>
        %squeeze3A_106 = vector.extract %slice3A_105[0] : i32 from vector<1xi32>
        %dma_start3A_107 = arith.constant 0 : i32
        %dma_start3A_108 = tpu.memref_slice %arg14[%add3A_102, %dma_start3A_107] : memref<128x32xf32, #tpu.memory_space<vmem>> -> memref<1x32xf32, #tpu.memory_space<vmem>>
        %dma_start3A_109 = arith.constant 0 : i32
        %dma_start3A_110 = tpu.memref_slice %arg2[%squeeze3A_104, %dma_start3A_109] : memref<1000000x32xf32, #tpu.memory_space<hbm>> -> memref<1x32xf32, #tpu.memory_space<hbm>>
        %dma_start3A_111 = arith.constant 0 : i32
        %dma_start3A_112 = tpu.memref_slice %arg14[%add3A_102, %dma_start3A_111] : memref<128x32xf32, #tpu.memory_space<vmem>> -> memref<1x32xf32, #tpu.memory_space<vmem>>
        %dma_start3A_113 = arith.constant 0 : i32
        %dma_start3A_114 = tpu.memref_slice %arg2[%squeeze3A_104, %dma_start3A_113] : memref<1000000x32xf32, #tpu.memory_space<hbm>> -> memref<1x32xf32, #tpu.memory_space<hbm>>
        tpu.enqueue_dma source(%dma_start3A_114 : memref<1x32xf32, #tpu.memory_space<hbm>>) target(%dma_start3A_112 : memref<1x32xf32, #tpu.memory_space<vmem>>) target_semaphore(%arg18 : memref<!tpu.dma_semaphore, #tpu.memory_space<semaphore_mem>>)
        %dma_start3A_115 = arith.constant 0 : i32
        %dma_start3A_116 = tpu.memref_slice %arg15[%add3A_102, %dma_start3A_115] : memref<128x32xf32, #tpu.memory_space<vmem>> -> memref<1x32xf32, #tpu.memory_space<vmem>>
        %dma_start3A_117 = arith.constant 0 : i32
        %dma_start3A_118 = tpu.memref_slice %arg3[%squeeze3A_106, %dma_start3A_117] : memref<100000x32xf32, #tpu.memory_space<hbm>> -> memref<1x32xf32, #tpu.memory_space<hbm>>
        %dma_start3A_119 = arith.constant 0 : i32
        %dma_start3A_120 = tpu.memref_slice %arg15[%add3A_102, %dma_start3A_119] : memref<128x32xf32, #tpu.memory_space<vmem>> -> memref<1x32xf32, #tpu.memory_space<vmem>>
        %dma_start3A_121 = arith.constant 0 : i32
        %dma_start3A_122 = tpu.memref_slice %arg3[%squeeze3A_106, %dma_start3A_121] : memref<100000x32xf32, #tpu.memory_space<hbm>> -> memref<1x32xf32, #tpu.memory_space<hbm>>
        tpu.enqueue_dma source(%dma_start3A_122 : memref<1x32xf32, #tpu.memory_space<hbm>>) target(%dma_start3A_120 : memref<1x32xf32, #tpu.memory_space<vmem>>) target_semaphore(%arg19 : memref<!tpu.dma_semaphore, #tpu.memory_space<semaphore_mem>>)
        %dma_start3A_123 = arith.constant 0 : i32
        %dma_start3A_124 = tpu.memref_slice %arg16[%add3A_102, %dma_start3A_123] : memref<128x50xf32, #tpu.memory_space<vmem>> -> memref<1x50xf32, #tpu.memory_space<vmem>>
        %dma_start3A_125 = arith.constant 0 : i32
        %dma_start3A_126 = tpu.memref_slice %arg4[%squeeze3A_104, %dma_start3A_125] : memref<1000000x50xf32, #tpu.memory_space<hbm>> -> memref<1x50xf32, #tpu.memory_space<hbm>>
        %dma_start3A_127 = arith.constant 0 : i32
        %dma_start3A_128 = tpu.memref_slice %arg16[%add3A_102, %dma_start3A_127] : memref<128x50xf32, #tpu.memory_space<vmem>> -> memref<1x50xf32, #tpu.memory_space<vmem>>
        %dma_start3A_129 = arith.constant 0 : i32
        %dma_start3A_130 = tpu.memref_slice %arg4[%squeeze3A_104, %dma_start3A_129] : memref<1000000x50xf32, #tpu.memory_space<hbm>> -> memref<1x50xf32, #tpu.memory_space<hbm>>
        tpu.enqueue_dma source(%dma_start3A_130 : memref<1x50xf32, #tpu.memory_space<hbm>>) target(%dma_start3A_128 : memref<1x50xf32, #tpu.memory_space<vmem>>) target_semaphore(%arg20 : memref<!tpu.dma_semaphore, #tpu.memory_space<semaphore_mem>>)
        %dma_start3A_131 = arith.constant 0 : i32
        %dma_start3A_132 = tpu.memref_slice %arg17[%add3A_102, %dma_start3A_131] : memref<128x50xf32, #tpu.memory_space<vmem>> -> memref<1x50xf32, #tpu.memory_space<vmem>>
        %dma_start3A_133 = arith.constant 0 : i32
        %dma_start3A_134 = tpu.memref_slice %arg5[%squeeze3A_106, %dma_start3A_133] : memref<100000x50xf32, #tpu.memory_space<hbm>> -> memref<1x50xf32, #tpu.memory_space<hbm>>
        %dma_start3A_135 = arith.constant 0 : i32
        %dma_start3A_136 = tpu.memref_slice %arg17[%add3A_102, %dma_start3A_135] : memref<128x50xf32, #tpu.memory_space<vmem>> -> memref<1x50xf32, #tpu.memory_space<vmem>>
        %dma_start3A_137 = arith.constant 0 : i32
        %dma_start3A_138 = tpu.memref_slice %arg5[%squeeze3A_106, %dma_start3A_137] : memref<100000x50xf32, #tpu.memory_space<hbm>> -> memref<1x50xf32, #tpu.memory_space<hbm>>
        tpu.enqueue_dma source(%dma_start3A_138 : memref<1x50xf32, #tpu.memory_space<hbm>>) target(%dma_start3A_136 : memref<1x50xf32, #tpu.memory_space<vmem>>) target_semaphore(%arg21 : memref<!tpu.dma_semaphore, #tpu.memory_space<semaphore_mem>>)
        %mul3A_139 = arith.constant 16 : i32
        %mul3A_140 = arith.muli %scan3A_45, %mul3A_139 : i32
        %add3A_141 = arith.constant 2 : i32
        %add3A_142 = arith.addi %mul3A_140, %add3A_141 : i32
        %slice3A_143 = vector.extract_strided_slice %get3A_53 {offsets = [2], sizes = [1], strides = [1]} : vector<16xi32> to vector<1xi32>
        %squeeze3A_144 = vector.extract %slice3A_143[0] : i32 from vector<1xi32>
        %slice3A_145 = vector.extract_strided_slice %get3A_61 {offsets = [2], sizes = [1], strides = [1]} : vector<16xi32> to vector<1xi32>
        %squeeze3A_146 = vector.extract %slice3A_145[0] : i32 from vector<1xi32>
        %dma_start3A_147 = arith.constant 0 : i32
        %dma_start3A_148 = tpu.memref_slice %arg14[%add3A_142, %dma_start3A_147] : memref<128x32xf32, #tpu.memory_space<vmem>> -> memref<1x32xf32, #tpu.memory_space<vmem>>
        %dma_start3A_149 = arith.constant 0 : i32
        %dma_start3A_150 = tpu.memref_slice %arg2[%squeeze3A_144, %dma_start3A_149] : memref<1000000x32xf32, #tpu.memory_space<hbm>> -> memref<1x32xf32, #tpu.memory_space<hbm>>
        %dma_start3A_151 = arith.constant 0 : i32
        %dma_start3A_152 = tpu.memref_slice %arg14[%add3A_142, %dma_start3A_151] : memref<128x32xf32, #tpu.memory_space<vmem>> -> memref<1x32xf32, #tpu.memory_space<vmem>>
        %dma_start3A_153 = arith.constant 0 : i32
        %dma_start3A_154 = tpu.memref_slice %arg2[%squeeze3A_144, %dma_start3A_153] : memref<1000000x32xf32, #tpu.memory_space<hbm>> -> memref<1x32xf32, #tpu.memory_space<hbm>>
        tpu.enqueue_dma source(%dma_start3A_154 : memref<1x32xf32, #tpu.memory_space<hbm>>) target(%dma_start3A_152 : memref<1x32xf32, #tpu.memory_space<vmem>>) target_semaphore(%arg18 : memref<!tpu.dma_semaphore, #tpu.memory_space<semaphore_mem>>)
        %dma_start3A_155 = arith.constant 0 : i32
        %dma_start3A_156 = tpu.memref_slice %arg15[%add3A_142, %dma_start3A_155] : memref<128x32xf32, #tpu.memory_space<vmem>> -> memref<1x32xf32, #tpu.memory_space<vmem>>
        %dma_start3A_157 = arith.constant 0 : i32
        %dma_start3A_158 = tpu.memref_slice %arg3[%squeeze3A_146, %dma_start3A_157] : memref<100000x32xf32, #tpu.memory_space<hbm>> -> memref<1x32xf32, #tpu.memory_space<hbm>>
        %dma_start3A_159 = arith.constant 0 : i32
        %dma_start3A_160 = tpu.memref_slice %arg15[%add3A_142, %dma_start3A_159] : memref<128x32xf32, #tpu.memory_space<vmem>> -> memref<1x32xf32, #tpu.memory_space<vmem>>
        %dma_start3A_161 = arith.constant 0 : i32
        %dma_start3A_162 = tpu.memref_slice %arg3[%squeeze3A_146, %dma_start3A_161] : memref<100000x32xf32, #tpu.memory_space<hbm>> -> memref<1x32xf32, #tpu.memory_space<hbm>>
        tpu.enqueue_dma source(%dma_start3A_162 : memref<1x32xf32, #tpu.memory_space<hbm>>) target(%dma_start3A_160 : memref<1x32xf32, #tpu.memory_space<vmem>>) target_semaphore(%arg19 : memref<!tpu.dma_semaphore, #tpu.memory_space<semaphore_mem>>)
        %dma_start3A_163 = arith.constant 0 : i32
        %dma_start3A_164 = tpu.memref_slice %arg16[%add3A_142, %dma_start3A_163] : memref<128x50xf32, #tpu.memory_space<vmem>> -> memref<1x50xf32, #tpu.memory_space<vmem>>
        %dma_start3A_165 = arith.constant 0 : i32
        %dma_start3A_166 = tpu.memref_slice %arg4[%squeeze3A_144, %dma_start3A_165] : memref<1000000x50xf32, #tpu.memory_space<hbm>> -> memref<1x50xf32, #tpu.memory_space<hbm>>
        %dma_start3A_167 = arith.constant 0 : i32
        %dma_start3A_168 = tpu.memref_slice %arg16[%add3A_142, %dma_start3A_167] : memref<128x50xf32, #tpu.memory_space<vmem>> -> memref<1x50xf32, #tpu.memory_space<vmem>>
        %dma_start3A_169 = arith.constant 0 : i32
        %dma_start3A_170 = tpu.memref_slice %arg4[%squeeze3A_144, %dma_start3A_169] : memref<1000000x50xf32, #tpu.memory_space<hbm>> -> memref<1x50xf32, #tpu.memory_space<hbm>>
        tpu.enqueue_dma source(%dma_start3A_170 : memref<1x50xf32, #tpu.memory_space<hbm>>) target(%dma_start3A_168 : memref<1x50xf32, #tpu.memory_space<vmem>>) target_semaphore(%arg20 : memref<!tpu.dma_semaphore, #tpu.memory_space<semaphore_mem>>)
        %dma_start3A_171 = arith.constant 0 : i32
        %dma_start3A_172 = tpu.memref_slice %arg17[%add3A_142, %dma_start3A_171] : memref<128x50xf32, #tpu.memory_space<vmem>> -> memref<1x50xf32, #tpu.memory_space<vmem>>
        %dma_start3A_173 = arith.constant 0 : i32
        %dma_start3A_174 = tpu.memref_slice %arg5[%squeeze3A_146, %dma_start3A_173] : memref<100000x50xf32, #tpu.memory_space<hbm>> -> memref<1x50xf32, #tpu.memory_space<hbm>>
        %dma_start3A_175 = arith.constant 0 : i32
        %dma_start3A_176 = tpu.memref_slice %arg17[%add3A_142, %dma_start3A_175] : memref<128x50xf32, #tpu.memory_space<vmem>> -> memref<1x50xf32, #tpu.memory_space<vmem>>
        %dma_start3A_177 = arith.constant 0 : i32
        %dma_start3A_178 = tpu.memref_slice %arg5[%squeeze3A_146, %dma_start3A_177] : memref<100000x50xf32, #tpu.memory_space<hbm>> -> memref<1x50xf32, #tpu.memory_space<hbm>>
        tpu.enqueue_dma source(%dma_start3A_178 : memref<1x50xf32, #tpu.memory_space<hbm>>) target(%dma_start3A_176 : memref<1x50xf32, #tpu.memory_space<vmem>>) target_semaphore(%arg21 : memref<!tpu.dma_semaphore, #tpu.memory_space<semaphore_mem>>)
        %mul3A_179 = arith.constant 16 : i32
        %mul3A_180 = arith.muli %scan3A_45, %mul3A_179 : i32
        %add3A_181 = arith.constant 3 : i32
        %add3A_182 = arith.addi %mul3A_180, %add3A_181 : i32
        %slice3A_183 = vector.extract_strided_slice %get3A_53 {offsets = [3], sizes = [1], strides = [1]} : vector<16xi32> to vector<1xi32>
        %squeeze3A_184 = vector.extract %slice3A_183[0] : i32 from vector<1xi32>
        %slice3A_185 = vector.extract_strided_slice %get3A_61 {offsets = [3], sizes = [1], strides = [1]} : vector<16xi32> to vector<1xi32>
        %squeeze3A_186 = vector.extract %slice3A_185[0] : i32 from vector<1xi32>
        %dma_start3A_187 = arith.constant 0 : i32
        %dma_start3A_188 = tpu.memref_slice %arg14[%add3A_182, %dma_start3A_187] : memref<128x32xf32, #tpu.memory_space<vmem>> -> memref<1x32xf32, #tpu.memory_space<vmem>>
        %dma_start3A_189 = arith.constant 0 : i32
        %dma_start3A_190 = tpu.memref_slice %arg2[%squeeze3A_184, %dma_start3A_189] : memref<1000000x32xf32, #tpu.memory_space<hbm>> -> memref<1x32xf32, #tpu.memory_space<hbm>>
        %dma_start3A_191 = arith.constant 0 : i32
        %dma_start3A_192 = tpu.memref_slice %arg14[%add3A_182, %dma_start3A_191] : memref<128x32xf32, #tpu.memory_space<vmem>> -> memref<1x32xf32, #tpu.memory_space<vmem>>
        %dma_start3A_193 = arith.constant 0 : i32
        %dma_start3A_194 = tpu.memref_slice %arg2[%squeeze3A_184, %dma_start3A_193] : memref<1000000x32xf32, #tpu.memory_space<hbm>> -> memref<1x32xf32, #tpu.memory_space<hbm>>
        tpu.enqueue_dma source(%dma_start3A_194 : memref<1x32xf32, #tpu.memory_space<hbm>>) target(%dma_start3A_192 : memref<1x32xf32, #tpu.memory_space<vmem>>) target_semaphore(%arg18 : memref<!tpu.dma_semaphore, #tpu.memory_space<semaphore_mem>>)
        %dma_start3A_195 = arith.constant 0 : i32
        %dma_start3A_196 = tpu.memref_slice %arg15[%add3A_182, %dma_start3A_195] : memref<128x32xf32, #tpu.memory_space<vmem>> -> memref<1x32xf32, #tpu.memory_space<vmem>>
        %dma_start3A_197 = arith.constant 0 : i32
        %dma_start3A_198 = tpu.memref_slice %arg3[%squeeze3A_186, %dma_start3A_197] : memref<100000x32xf32, #tpu.memory_space<hbm>> -> memref<1x32xf32, #tpu.memory_space<hbm>>
        %dma_start3A_199 = arith.constant 0 : i32
        %dma_start3A_200 = tpu.memref_slice %arg15[%add3A_182, %dma_start3A_199] : memref<128x32xf32, #tpu.memory_space<vmem>> -> memref<1x32xf32, #tpu.memory_space<vmem>>
        %dma_start3A_201 = arith.constant 0 : i32
        %dma_start3A_202 = tpu.memref_slice %arg3[%squeeze3A_186, %dma_start3A_201] : memref<100000x32xf32, #tpu.memory_space<hbm>> -> memref<1x32xf32, #tpu.memory_space<hbm>>
        tpu.enqueue_dma source(%dma_start3A_202 : memref<1x32xf32, #tpu.memory_space<hbm>>) target(%dma_start3A_200 : memref<1x32xf32, #tpu.memory_space<vmem>>) target_semaphore(%arg19 : memref<!tpu.dma_semaphore, #tpu.memory_space<semaphore_mem>>)
        %dma_start3A_203 = arith.constant 0 : i32
        %dma_start3A_204 = tpu.memref_slice %arg16[%add3A_182, %dma_start3A_203] : memref<128x50xf32, #tpu.memory_space<vmem>> -> memref<1x50xf32, #tpu.memory_space<vmem>>
        %dma_start3A_205 = arith.constant 0 : i32
        %dma_start3A_206 = tpu.memref_slice %arg4[%squeeze3A_184, %dma_start3A_205] : memref<1000000x50xf32, #tpu.memory_space<hbm>> -> memref<1x50xf32, #tpu.memory_space<hbm>>
        %dma_start3A_207 = arith.constant 0 : i32
        %dma_start3A_208 = tpu.memref_slice %arg16[%add3A_182, %dma_start3A_207] : memref<128x50xf32, #tpu.memory_space<vmem>> -> memref<1x50xf32, #tpu.memory_space<vmem>>
        %dma_start3A_209 = arith.constant 0 : i32
        %dma_start3A_210 = tpu.memref_slice %arg4[%squeeze3A_184, %dma_start3A_209] : memref<1000000x50xf32, #tpu.memory_space<hbm>> -> memref<1x50xf32, #tpu.memory_space<hbm>>
        tpu.enqueue_dma source(%dma_start3A_210 : memref<1x50xf32, #tpu.memory_space<hbm>>) target(%dma_start3A_208 : memref<1x50xf32, #tpu.memory_space<vmem>>) target_semaphore(%arg20 : memref<!tpu.dma_semaphore, #tpu.memory_space<semaphore_mem>>)
        %dma_start3A_211 = arith.constant 0 : i32
        %dma_start3A_212 = tpu.memref_slice %arg17[%add3A_182, %dma_start3A_211] : memref<128x50xf32, #tpu.memory_space<vmem>> -> memref<1x50xf32, #tpu.memory_space<vmem>>
        %dma_start3A_213 = arith.constant 0 : i32
        %dma_start3A_214 = tpu.memref_slice %arg5[%squeeze3A_186, %dma_start3A_213] : memref<100000x50xf32, #tpu.memory_space<hbm>> -> memref<1x50xf32, #tpu.memory_space<hbm>>
        %dma_start3A_215 = arith.constant 0 : i32
        %dma_start3A_216 = tpu.memref_slice %arg17[%add3A_182, %dma_start3A_215] : memref<128x50xf32, #tpu.memory_space<vmem>> -> memref<1x50xf32, #tpu.memory_space<vmem>>
        %dma_start3A_217 = arith.constant 0 : i32
        %dma_start3A_218 = tpu.memref_slice %arg5[%squeeze3A_186, %dma_start3A_217] : memref<100000x50xf32, #tpu.memory_space<hbm>> -> memref<1x50xf32, #tpu.memory_space<hbm>>
        tpu.enqueue_dma source(%dma_start3A_218 : memref<1x50xf32, #tpu.memory_space<hbm>>) target(%dma_start3A_216 : memref<1x50xf32, #tpu.memory_space<vmem>>) target_semaphore(%arg21 : memref<!tpu.dma_semaphore, #tpu.memory_space<semaphore_mem>>)
        %mul3A_219 = arith.constant 16 : i32
        %mul3A_220 = arith.muli %scan3A_45, %mul3A_219 : i32
        %add3A_221 = arith.constant 4 : i32
        %add3A_222 = arith.addi %mul3A_220, %add3A_221 : i32
        %slice3A_223 = vector.extract_strided_slice %get3A_53 {offsets = [4], sizes = [1], strides = [1]} : vector<16xi32> to vector<1xi32>
        %squeeze3A_224 = vector.extract %slice3A_223[0] : i32 from vector<1xi32>
        %slice3A_225 = vector.extract_strided_slice %get3A_61 {offsets = [4], sizes = [1], strides = [1]} : vector<16xi32> to vector<1xi32>
        %squeeze3A_226 = vector.extract %slice3A_225[0] : i32 from vector<1xi32>
        %dma_start3A_227 = arith.constant 0 : i32
        %dma_start3A_228 = tpu.memref_slice %arg14[%add3A_222, %dma_start3A_227] : memref<128x32xf32, #tpu.memory_space<vmem>> -> memref<1x32xf32, #tpu.memory_space<vmem>>
        %dma_start3A_229 = arith.constant 0 : i32
        %dma_start3A_230 = tpu.memref_slice %arg2[%squeeze3A_224, %dma_start3A_229] : memref<1000000x32xf32, #tpu.memory_space<hbm>> -> memref<1x32xf32, #tpu.memory_space<hbm>>
        %dma_start3A_231 = arith.constant 0 : i32
        %dma_start3A_232 = tpu.memref_slice %arg14[%add3A_222, %dma_start3A_231] : memref<128x32xf32, #tpu.memory_space<vmem>> -> memref<1x32xf32, #tpu.memory_space<vmem>>
        %dma_start3A_233 = arith.constant 0 : i32
        %dma_start3A_234 = tpu.memref_slice %arg2[%squeeze3A_224, %dma_start3A_233] : memref<1000000x32xf32, #tpu.memory_space<hbm>> -> memref<1x32xf32, #tpu.memory_space<hbm>>
        tpu.enqueue_dma source(%dma_start3A_234 : memref<1x32xf32, #tpu.memory_space<hbm>>) target(%dma_start3A_232 : memref<1x32xf32, #tpu.memory_space<vmem>>) target_semaphore(%arg18 : memref<!tpu.dma_semaphore, #tpu.memory_space<semaphore_mem>>)
        %dma_start3A_235 = arith.constant 0 : i32
        %dma_start3A_236 = tpu.memref_slice %arg15[%add3A_222, %dma_start3A_235] : memref<128x32xf32, #tpu.memory_space<vmem>> -> memref<1x32xf32, #tpu.memory_space<vmem>>
        %dma_start3A_237 = arith.constant 0 : i32
        %dma_start3A_238 = tpu.memref_slice %arg3[%squeeze3A_226, %dma_start3A_237] : memref<100000x32xf32, #tpu.memory_space<hbm>> -> memref<1x32xf32, #tpu.memory_space<hbm>>
        %dma_start3A_239 = arith.constant 0 : i32
        %dma_start3A_240 = tpu.memref_slice %arg15[%add3A_222, %dma_start3A_239] : memref<128x32xf32, #tpu.memory_space<vmem>> -> memref<1x32xf32, #tpu.memory_space<vmem>>
        %dma_start3A_241 = arith.constant 0 : i32
        %dma_start3A_242 = tpu.memref_slice %arg3[%squeeze3A_226, %dma_start3A_241] : memref<100000x32xf32, #tpu.memory_space<hbm>> -> memref<1x32xf32, #tpu.memory_space<hbm>>
        tpu.enqueue_dma source(%dma_start3A_242 : memref<1x32xf32, #tpu.memory_space<hbm>>) target(%dma_start3A_240 : memref<1x32xf32, #tpu.memory_space<vmem>>) target_semaphore(%arg19 : memref<!tpu.dma_semaphore, #tpu.memory_space<semaphore_mem>>)
        %dma_start3A_243 = arith.constant 0 : i32
        %dma_start3A_244 = tpu.memref_slice %arg16[%add3A_222, %dma_start3A_243] : memref<128x50xf32, #tpu.memory_space<vmem>> -> memref<1x50xf32, #tpu.memory_space<vmem>>
        %dma_start3A_245 = arith.constant 0 : i32
        %dma_start3A_246 = tpu.memref_slice %arg4[%squeeze3A_224, %dma_start3A_245] : memref<1000000x50xf32, #tpu.memory_space<hbm>> -> memref<1x50xf32, #tpu.memory_space<hbm>>
        %dma_start3A_247 = arith.constant 0 : i32
        %dma_start3A_248 = tpu.memref_slice %arg16[%add3A_222, %dma_start3A_247] : memref<128x50xf32, #tpu.memory_space<vmem>> -> memref<1x50xf32, #tpu.memory_space<vmem>>
        %dma_start3A_249 = arith.constant 0 : i32
        %dma_start3A_250 = tpu.memref_slice %arg4[%squeeze3A_224, %dma_start3A_249] : memref<1000000x50xf32, #tpu.memory_space<hbm>> -> memref<1x50xf32, #tpu.memory_space<hbm>>
        tpu.enqueue_dma source(%dma_start3A_250 : memref<1x50xf32, #tpu.memory_space<hbm>>) target(%dma_start3A_248 : memref<1x50xf32, #tpu.memory_space<vmem>>) target_semaphore(%arg20 : memref<!tpu.dma_semaphore, #tpu.memory_space<semaphore_mem>>)
        %dma_start3A_251 = arith.constant 0 : i32
        %dma_start3A_252 = tpu.memref_slice %arg17[%add3A_222, %dma_start3A_251] : memref<128x50xf32, #tpu.memory_space<vmem>> -> memref<1x50xf32, #tpu.memory_space<vmem>>
        %dma_start3A_253 = arith.constant 0 : i32
        %dma_start3A_254 = tpu.memref_slice %arg5[%squeeze3A_226, %dma_start3A_253] : memref<100000x50xf32, #tpu.memory_space<hbm>> -> memref<1x50xf32, #tpu.memory_space<hbm>>
        %dma_start3A_255 = arith.constant 0 : i32
        %dma_start3A_256 = tpu.memref_slice %arg17[%add3A_222, %dma_start3A_255] : memref<128x50xf32, #tpu.memory_space<vmem>> -> memref<1x50xf32, #tpu.memory_space<vmem>>
        %dma_start3A_257 = arith.constant 0 : i32
        %dma_start3A_258 = tpu.memref_slice %arg5[%squeeze3A_226, %dma_start3A_257] : memref<100000x50xf32, #tpu.memory_space<hbm>> -> memref<1x50xf32, #tpu.memory_space<hbm>>
        tpu.enqueue_dma source(%dma_start3A_258 : memref<1x50xf32, #tpu.memory_space<hbm>>) target(%dma_start3A_256 : memref<1x50xf32, #tpu.memory_space<vmem>>) target_semaphore(%arg21 : memref<!tpu.dma_semaphore, #tpu.memory_space<semaphore_mem>>)
        %mul3A_259 = arith.constant 16 : i32
        %mul3A_260 = arith.muli %scan3A_45, %mul3A_259 : i32
        %add3A_261 = arith.constant 5 : i32
        %add3A_262 = arith.addi %mul3A_260, %add3A_261 : i32
        %slice3A_263 = vector.extract_strided_slice %get3A_53 {offsets = [5], sizes = [1], strides = [1]} : vector<16xi32> to vector<1xi32>
        %squeeze3A_264 = vector.extract %slice3A_263[0] : i32 from vector<1xi32>
        %slice3A_265 = vector.extract_strided_slice %get3A_61 {offsets = [5], sizes = [1], strides = [1]} : vector<16xi32> to vector<1xi32>
        %squeeze3A_266 = vector.extract %slice3A_265[0] : i32 from vector<1xi32>
        %dma_start3A_267 = arith.constant 0 : i32
        %dma_start3A_268 = tpu.memref_slice %arg14[%add3A_262, %dma_start3A_267] : memref<128x32xf32, #tpu.memory_space<vmem>> -> memref<1x32xf32, #tpu.memory_space<vmem>>
        %dma_start3A_269 = arith.constant 0 : i32
        %dma_start3A_270 = tpu.memref_slice %arg2[%squeeze3A_264, %dma_start3A_269] : memref<1000000x32xf32, #tpu.memory_space<hbm>> -> memref<1x32xf32, #tpu.memory_space<hbm>>
        %dma_start3A_271 = arith.constant 0 : i32
        %dma_start3A_272 = tpu.memref_slice %arg14[%add3A_262, %dma_start3A_271] : memref<128x32xf32, #tpu.memory_space<vmem>> -> memref<1x32xf32, #tpu.memory_space<vmem>>
        %dma_start3A_273 = arith.constant 0 : i32
        %dma_start3A_274 = tpu.memref_slice %arg2[%squeeze3A_264, %dma_start3A_273] : memref<1000000x32xf32, #tpu.memory_space<hbm>> -> memref<1x32xf32, #tpu.memory_space<hbm>>
        tpu.enqueue_dma source(%dma_start3A_274 : memref<1x32xf32, #tpu.memory_space<hbm>>) target(%dma_start3A_272 : memref<1x32xf32, #tpu.memory_space<vmem>>) target_semaphore(%arg18 : memref<!tpu.dma_semaphore, #tpu.memory_space<semaphore_mem>>)
        %dma_start3A_275 = arith.constant 0 : i32
        %dma_start3A_276 = tpu.memref_slice %arg15[%add3A_262, %dma_start3A_275] : memref<128x32xf32, #tpu.memory_space<vmem>> -> memref<1x32xf32, #tpu.memory_space<vmem>>
        %dma_start3A_277 = arith.constant 0 : i32
        %dma_start3A_278 = tpu.memref_slice %arg3[%squeeze3A_266, %dma_start3A_277] : memref<100000x32xf32, #tpu.memory_space<hbm>> -> memref<1x32xf32, #tpu.memory_space<hbm>>
        %dma_start3A_279 = arith.constant 0 : i32
        %dma_start3A_280 = tpu.memref_slice %arg15[%add3A_262, %dma_start3A_279] : memref<128x32xf32, #tpu.memory_space<vmem>> -> memref<1x32xf32, #tpu.memory_space<vmem>>
        %dma_start3A_281 = arith.constant 0 : i32
        %dma_start3A_282 = tpu.memref_slice %arg3[%squeeze3A_266, %dma_start3A_281] : memref<100000x32xf32, #tpu.memory_space<hbm>> -> memref<1x32xf32, #tpu.memory_space<hbm>>
        tpu.enqueue_dma source(%dma_start3A_282 : memref<1x32xf32, #tpu.memory_space<hbm>>) target(%dma_start3A_280 : memref<1x32xf32, #tpu.memory_space<vmem>>) target_semaphore(%arg19 : memref<!tpu.dma_semaphore, #tpu.memory_space<semaphore_mem>>)
        %dma_start3A_283 = arith.constant 0 : i32
        %dma_start3A_284 = tpu.memref_slice %arg16[%add3A_262, %dma_start3A_283] : memref<128x50xf32, #tpu.memory_space<vmem>> -> memref<1x50xf32, #tpu.memory_space<vmem>>
        %dma_start3A_285 = arith.constant 0 : i32
        %dma_start3A_286 = tpu.memref_slice %arg4[%squeeze3A_264, %dma_start3A_285] : memref<1000000x50xf32, #tpu.memory_space<hbm>> -> memref<1x50xf32, #tpu.memory_space<hbm>>
        %dma_start3A_287 = arith.constant 0 : i32
        %dma_start3A_288 = tpu.memref_slice %arg16[%add3A_262, %dma_start3A_287] : memref<128x50xf32, #tpu.memory_space<vmem>> -> memref<1x50xf32, #tpu.memory_space<vmem>>
        %dma_start3A_289 = arith.constant 0 : i32
        %dma_start3A_290 = tpu.memref_slice %arg4[%squeeze3A_264, %dma_start3A_289] : memref<1000000x50xf32, #tpu.memory_space<hbm>> -> memref<1x50xf32, #tpu.memory_space<hbm>>
        tpu.enqueue_dma source(%dma_start3A_290 : memref<1x50xf32, #tpu.memory_space<hbm>>) target(%dma_start3A_288 : memref<1x50xf32, #tpu.memory_space<vmem>>) target_semaphore(%arg20 : memref<!tpu.dma_semaphore, #tpu.memory_space<semaphore_mem>>)
        %dma_start3A_291 = arith.constant 0 : i32
        %dma_start3A_292 = tpu.memref_slice %arg17[%add3A_262, %dma_start3A_291] : memref<128x50xf32, #tpu.memory_space<vmem>> -> memref<1x50xf32, #tpu.memory_space<vmem>>
        %dma_start3A_293 = arith.constant 0 : i32
        %dma_start3A_294 = tpu.memref_slice %arg5[%squeeze3A_266, %dma_start3A_293] : memref<100000x50xf32, #tpu.memory_space<hbm>> -> memref<1x50xf32, #tpu.memory_space<hbm>>
        %dma_start3A_295 = arith.constant 0 : i32
        %dma_start3A_296 = tpu.memref_slice %arg17[%add3A_262, %dma_start3A_295] : memref<128x50xf32, #tpu.memory_space<vmem>> -> memref<1x50xf32, #tpu.memory_space<vmem>>
        %dma_start3A_297 = arith.constant 0 : i32
        %dma_start3A_298 = tpu.memref_slice %arg5[%squeeze3A_266, %dma_start3A_297] : memref<100000x50xf32, #tpu.memory_space<hbm>> -> memref<1x50xf32, #tpu.memory_space<hbm>>
        tpu.enqueue_dma source(%dma_start3A_298 : memref<1x50xf32, #tpu.memory_space<hbm>>) target(%dma_start3A_296 : memref<1x50xf32, #tpu.memory_space<vmem>>) target_semaphore(%arg21 : memref<!tpu.dma_semaphore, #tpu.memory_space<semaphore_mem>>)
        %mul3A_299 = arith.constant 16 : i32
        %mul3A_300 = arith.muli %scan3A_45, %mul3A_299 : i32
        %add3A_301 = arith.constant 6 : i32
        %add3A_302 = arith.addi %mul3A_300, %add3A_301 : i32
        %slice3A_303 = vector.extract_strided_slice %get3A_53 {offsets = [6], sizes = [1], strides = [1]} : vector<16xi32> to vector<1xi32>
        %squeeze3A_304 = vector.extract %slice3A_303[0] : i32 from vector<1xi32>
        %slice3A_305 = vector.extract_strided_slice %get3A_61 {offsets = [6], sizes = [1], strides = [1]} : vector<16xi32> to vector<1xi32>
        %squeeze3A_306 = vector.extract %slice3A_305[0] : i32 from vector<1xi32>
        %dma_start3A_307 = arith.constant 0 : i32
        %dma_start3A_308 = tpu.memref_slice %arg14[%add3A_302, %dma_start3A_307] : memref<128x32xf32, #tpu.memory_space<vmem>> -> memref<1x32xf32, #tpu.memory_space<vmem>>
        %dma_start3A_309 = arith.constant 0 : i32
        %dma_start3A_310 = tpu.memref_slice %arg2[%squeeze3A_304, %dma_start3A_309] : memref<1000000x32xf32, #tpu.memory_space<hbm>> -> memref<1x32xf32, #tpu.memory_space<hbm>>
        %dma_start3A_311 = arith.constant 0 : i32
        %dma_start3A_312 = tpu.memref_slice %arg14[%add3A_302, %dma_start3A_311] : memref<128x32xf32, #tpu.memory_space<vmem>> -> memref<1x32xf32, #tpu.memory_space<vmem>>
        %dma_start3A_313 = arith.constant 0 : i32
        %dma_start3A_314 = tpu.memref_slice %arg2[%squeeze3A_304, %dma_start3A_313] : memref<1000000x32xf32, #tpu.memory_space<hbm>> -> memref<1x32xf32, #tpu.memory_space<hbm>>
        tpu.enqueue_dma source(%dma_start3A_314 : memref<1x32xf32, #tpu.memory_space<hbm>>) target(%dma_start3A_312 : memref<1x32xf32, #tpu.memory_space<vmem>>) target_semaphore(%arg18 : memref<!tpu.dma_semaphore, #tpu.memory_space<semaphore_mem>>)
        %dma_start3A_315 = arith.constant 0 : i32
        %dma_start3A_316 = tpu.memref_slice %arg15[%add3A_302, %dma_start3A_315] : memref<128x32xf32, #tpu.memory_space<vmem>> -> memref<1x32xf32, #tpu.memory_space<vmem>>
        %dma_start3A_317 = arith.constant 0 : i32
        %dma_start3A_318 = tpu.memref_slice %arg3[%squeeze3A_306, %dma_start3A_317] : memref<100000x32xf32, #tpu.memory_space<hbm>> -> memref<1x32xf32, #tpu.memory_space<hbm>>
        %dma_start3A_319 = arith.constant 0 : i32
        %dma_start3A_320 = tpu.memref_slice %arg15[%add3A_302, %dma_start3A_319] : memref<128x32xf32, #tpu.memory_space<vmem>> -> memref<1x32xf32, #tpu.memory_space<vmem>>
        %dma_start3A_321 = arith.constant 0 : i32
        %dma_start3A_322 = tpu.memref_slice %arg3[%squeeze3A_306, %dma_start3A_321] : memref<100000x32xf32, #tpu.memory_space<hbm>> -> memref<1x32xf32, #tpu.memory_space<hbm>>
        tpu.enqueue_dma source(%dma_start3A_322 : memref<1x32xf32, #tpu.memory_space<hbm>>) target(%dma_start3A_320 : memref<1x32xf32, #tpu.memory_space<vmem>>) target_semaphore(%arg19 : memref<!tpu.dma_semaphore, #tpu.memory_space<semaphore_mem>>)
        %dma_start3A_323 = arith.constant 0 : i32
        %dma_start3A_324 = tpu.memref_slice %arg16[%add3A_302, %dma_start3A_323] : memref<128x50xf32, #tpu.memory_space<vmem>> -> memref<1x50xf32, #tpu.memory_space<vmem>>
        %dma_start3A_325 = arith.constant 0 : i32
        %dma_start3A_326 = tpu.memref_slice %arg4[%squeeze3A_304, %dma_start3A_325] : memref<1000000x50xf32, #tpu.memory_space<hbm>> -> memref<1x50xf32, #tpu.memory_space<hbm>>
        %dma_start3A_327 = arith.constant 0 : i32
        %dma_start3A_328 = tpu.memref_slice %arg16[%add3A_302, %dma_start3A_327] : memref<128x50xf32, #tpu.memory_space<vmem>> -> memref<1x50xf32, #tpu.memory_space<vmem>>
        %dma_start3A_329 = arith.constant 0 : i32
        %dma_start3A_330 = tpu.memref_slice %arg4[%squeeze3A_304, %dma_start3A_329] : memref<1000000x50xf32, #tpu.memory_space<hbm>> -> memref<1x50xf32, #tpu.memory_space<hbm>>
        tpu.enqueue_dma source(%dma_start3A_330 : memref<1x50xf32, #tpu.memory_space<hbm>>) target(%dma_start3A_328 : memref<1x50xf32, #tpu.memory_space<vmem>>) target_semaphore(%arg20 : memref<!tpu.dma_semaphore, #tpu.memory_space<semaphore_mem>>)
        %dma_start3A_331 = arith.constant 0 : i32
        %dma_start3A_332 = tpu.memref_slice %arg17[%add3A_302, %dma_start3A_331] : memref<128x50xf32, #tpu.memory_space<vmem>> -> memref<1x50xf32, #tpu.memory_space<vmem>>
        %dma_start3A_333 = arith.constant 0 : i32
        %dma_start3A_334 = tpu.memref_slice %arg5[%squeeze3A_306, %dma_start3A_333] : memref<100000x50xf32, #tpu.memory_space<hbm>> -> memref<1x50xf32, #tpu.memory_space<hbm>>
        %dma_start3A_335 = arith.constant 0 : i32
        %dma_start3A_336 = tpu.memref_slice %arg17[%add3A_302, %dma_start3A_335] : memref<128x50xf32, #tpu.memory_space<vmem>> -> memref<1x50xf32, #tpu.memory_space<vmem>>
        %dma_start3A_337 = arith.constant 0 : i32
        %dma_start3A_338 = tpu.memref_slice %arg5[%squeeze3A_306, %dma_start3A_337] : memref<100000x50xf32, #tpu.memory_space<hbm>> -> memref<1x50xf32, #tpu.memory_space<hbm>>
        tpu.enqueue_dma source(%dma_start3A_338 : memref<1x50xf32, #tpu.memory_space<hbm>>) target(%dma_start3A_336 : memref<1x50xf32, #tpu.memory_space<vmem>>) target_semaphore(%arg21 : memref<!tpu.dma_semaphore, #tpu.memory_space<semaphore_mem>>)
        %mul3A_339 = arith.constant 16 : i32
        %mul3A_340 = arith.muli %scan3A_45, %mul3A_339 : i32
        %add3A_341 = arith.constant 7 : i32
        %add3A_342 = arith.addi %mul3A_340, %add3A_341 : i32
        %slice3A_343 = vector.extract_strided_slice %get3A_53 {offsets = [7], sizes = [1], strides = [1]} : vector<16xi32> to vector<1xi32>
        %squeeze3A_344 = vector.extract %slice3A_343[0] : i32 from vector<1xi32>
        %slice3A_345 = vector.extract_strided_slice %get3A_61 {offsets = [7], sizes = [1], strides = [1]} : vector<16xi32> to vector<1xi32>
        %squeeze3A_346 = vector.extract %slice3A_345[0] : i32 from vector<1xi32>
        %dma_start3A_347 = arith.constant 0 : i32
        %dma_start3A_348 = tpu.memref_slice %arg14[%add3A_342, %dma_start3A_347] : memref<128x32xf32, #tpu.memory_space<vmem>> -> memref<1x32xf32, #tpu.memory_space<vmem>>
        %dma_start3A_349 = arith.constant 0 : i32
        %dma_start3A_350 = tpu.memref_slice %arg2[%squeeze3A_344, %dma_start3A_349] : memref<1000000x32xf32, #tpu.memory_space<hbm>> -> memref<1x32xf32, #tpu.memory_space<hbm>>
        %dma_start3A_351 = arith.constant 0 : i32
        %dma_start3A_352 = tpu.memref_slice %arg14[%add3A_342, %dma_start3A_351] : memref<128x32xf32, #tpu.memory_space<vmem>> -> memref<1x32xf32, #tpu.memory_space<vmem>>
        %dma_start3A_353 = arith.constant 0 : i32
        %dma_start3A_354 = tpu.memref_slice %arg2[%squeeze3A_344, %dma_start3A_353] : memref<1000000x32xf32, #tpu.memory_space<hbm>> -> memref<1x32xf32, #tpu.memory_space<hbm>>
        tpu.enqueue_dma source(%dma_start3A_354 : memref<1x32xf32, #tpu.memory_space<hbm>>) target(%dma_start3A_352 : memref<1x32xf32, #tpu.memory_space<vmem>>) target_semaphore(%arg18 : memref<!tpu.dma_semaphore, #tpu.memory_space<semaphore_mem>>)
        %dma_start3A_355 = arith.constant 0 : i32
        %dma_start3A_356 = tpu.memref_slice %arg15[%add3A_342, %dma_start3A_355] : memref<128x32xf32, #tpu.memory_space<vmem>> -> memref<1x32xf32, #tpu.memory_space<vmem>>
        %dma_start3A_357 = arith.constant 0 : i32
        %dma_start3A_358 = tpu.memref_slice %arg3[%squeeze3A_346, %dma_start3A_357] : memref<100000x32xf32, #tpu.memory_space<hbm>> -> memref<1x32xf32, #tpu.memory_space<hbm>>
        %dma_start3A_359 = arith.constant 0 : i32
        %dma_start3A_360 = tpu.memref_slice %arg15[%add3A_342, %dma_start3A_359] : memref<128x32xf32, #tpu.memory_space<vmem>> -> memref<1x32xf32, #tpu.memory_space<vmem>>
        %dma_start3A_361 = arith.constant 0 : i32
        %dma_start3A_362 = tpu.memref_slice %arg3[%squeeze3A_346, %dma_start3A_361] : memref<100000x32xf32, #tpu.memory_space<hbm>> -> memref<1x32xf32, #tpu.memory_space<hbm>>
        tpu.enqueue_dma source(%dma_start3A_362 : memref<1x32xf32, #tpu.memory_space<hbm>>) target(%dma_start3A_360 : memref<1x32xf32, #tpu.memory_space<vmem>>) target_semaphore(%arg19 : memref<!tpu.dma_semaphore, #tpu.memory_space<semaphore_mem>>)
        %dma_start3A_363 = arith.constant 0 : i32
        %dma_start3A_364 = tpu.memref_slice %arg16[%add3A_342, %dma_start3A_363] : memref<128x50xf32, #tpu.memory_space<vmem>> -> memref<1x50xf32, #tpu.memory_space<vmem>>
        %dma_start3A_365 = arith.constant 0 : i32
        %dma_start3A_366 = tpu.memref_slice %arg4[%squeeze3A_344, %dma_start3A_365] : memref<1000000x50xf32, #tpu.memory_space<hbm>> -> memref<1x50xf32, #tpu.memory_space<hbm>>
        %dma_start3A_367 = arith.constant 0 : i32
        %dma_start3A_368 = tpu.memref_slice %arg16[%add3A_342, %dma_start3A_367] : memref<128x50xf32, #tpu.memory_space<vmem>> -> memref<1x50xf32, #tpu.memory_space<vmem>>
        %dma_start3A_369 = arith.constant 0 : i32
        %dma_start3A_370 = tpu.memref_slice %arg4[%squeeze3A_344, %dma_start3A_369] : memref<1000000x50xf32, #tpu.memory_space<hbm>> -> memref<1x50xf32, #tpu.memory_space<hbm>>
        tpu.enqueue_dma source(%dma_start3A_370 : memref<1x50xf32, #tpu.memory_space<hbm>>) target(%dma_start3A_368 : memref<1x50xf32, #tpu.memory_space<vmem>>) target_semaphore(%arg20 : memref<!tpu.dma_semaphore, #tpu.memory_space<semaphore_mem>>)
        %dma_start3A_371 = arith.constant 0 : i32
        %dma_start3A_372 = tpu.memref_slice %arg17[%add3A_342, %dma_start3A_371] : memref<128x50xf32, #tpu.memory_space<vmem>> -> memref<1x50xf32, #tpu.memory_space<vmem>>
        %dma_start3A_373 = arith.constant 0 : i32
        %dma_start3A_374 = tpu.memref_slice %arg5[%squeeze3A_346, %dma_start3A_373] : memref<100000x50xf32, #tpu.memory_space<hbm>> -> memref<1x50xf32, #tpu.memory_space<hbm>>
        %dma_start3A_375 = arith.constant 0 : i32
        %dma_start3A_376 = tpu.memref_slice %arg17[%add3A_342, %dma_start3A_375] : memref<128x50xf32, #tpu.memory_space<vmem>> -> memref<1x50xf32, #tpu.memory_space<vmem>>
        %dma_start3A_377 = arith.constant 0 : i32
        %dma_start3A_378 = tpu.memref_slice %arg5[%squeeze3A_346, %dma_start3A_377] : memref<100000x50xf32, #tpu.memory_space<hbm>> -> memref<1x50xf32, #tpu.memory_space<hbm>>
        tpu.enqueue_dma source(%dma_start3A_378 : memref<1x50xf32, #tpu.memory_space<hbm>>) target(%dma_start3A_376 : memref<1x50xf32, #tpu.memory_space<vmem>>) target_semaphore(%arg21 : memref<!tpu.dma_semaphore, #tpu.memory_space<semaphore_mem>>)
        %mul3A_379 = arith.constant 16 : i32
        %mul3A_380 = arith.muli %scan3A_45, %mul3A_379 : i32
        %add3A_381 = arith.constant 8 : i32
        %add3A_382 = arith.addi %mul3A_380, %add3A_381 : i32
        %slice3A_383 = vector.extract_strided_slice %get3A_53 {offsets = [8], sizes = [1], strides = [1]} : vector<16xi32> to vector<1xi32>
        %squeeze3A_384 = vector.extract %slice3A_383[0] : i32 from vector<1xi32>
        %slice3A_385 = vector.extract_strided_slice %get3A_61 {offsets = [8], sizes = [1], strides = [1]} : vector<16xi32> to vector<1xi32>
        %squeeze3A_386 = vector.extract %slice3A_385[0] : i32 from vector<1xi32>
        %dma_start3A_387 = arith.constant 0 : i32
        %dma_start3A_388 = tpu.memref_slice %arg14[%add3A_382, %dma_start3A_387] : memref<128x32xf32, #tpu.memory_space<vmem>> -> memref<1x32xf32, #tpu.memory_space<vmem>>
        %dma_start3A_389 = arith.constant 0 : i32
        %dma_start3A_390 = tpu.memref_slice %arg2[%squeeze3A_384, %dma_start3A_389] : memref<1000000x32xf32, #tpu.memory_space<hbm>> -> memref<1x32xf32, #tpu.memory_space<hbm>>
        %dma_start3A_391 = arith.constant 0 : i32
        %dma_start3A_392 = tpu.memref_slice %arg14[%add3A_382, %dma_start3A_391] : memref<128x32xf32, #tpu.memory_space<vmem>> -> memref<1x32xf32, #tpu.memory_space<vmem>>
        %dma_start3A_393 = arith.constant 0 : i32
        %dma_start3A_394 = tpu.memref_slice %arg2[%squeeze3A_384, %dma_start3A_393] : memref<1000000x32xf32, #tpu.memory_space<hbm>> -> memref<1x32xf32, #tpu.memory_space<hbm>>
        tpu.enqueue_dma source(%dma_start3A_394 : memref<1x32xf32, #tpu.memory_space<hbm>>) target(%dma_start3A_392 : memref<1x32xf32, #tpu.memory_space<vmem>>) target_semaphore(%arg18 : memref<!tpu.dma_semaphore, #tpu.memory_space<semaphore_mem>>)
        %dma_start3A_395 = arith.constant 0 : i32
        %dma_start3A_396 = tpu.memref_slice %arg15[%add3A_382, %dma_start3A_395] : memref<128x32xf32, #tpu.memory_space<vmem>> -> memref<1x32xf32, #tpu.memory_space<vmem>>
        %dma_start3A_397 = arith.constant 0 : i32
        %dma_start3A_398 = tpu.memref_slice %arg3[%squeeze3A_386, %dma_start3A_397] : memref<100000x32xf32, #tpu.memory_space<hbm>> -> memref<1x32xf32, #tpu.memory_space<hbm>>
        %dma_start3A_399 = arith.constant 0 : i32
        %dma_start3A_400 = tpu.memref_slice %arg15[%add3A_382, %dma_start3A_399] : memref<128x32xf32, #tpu.memory_space<vmem>> -> memref<1x32xf32, #tpu.memory_space<vmem>>
        %dma_start3A_401 = arith.constant 0 : i32
        %dma_start3A_402 = tpu.memref_slice %arg3[%squeeze3A_386, %dma_start3A_401] : memref<100000x32xf32, #tpu.memory_space<hbm>> -> memref<1x32xf32, #tpu.memory_space<hbm>>
        tpu.enqueue_dma source(%dma_start3A_402 : memref<1x32xf32, #tpu.memory_space<hbm>>) target(%dma_start3A_400 : memref<1x32xf32, #tpu.memory_space<vmem>>) target_semaphore(%arg19 : memref<!tpu.dma_semaphore, #tpu.memory_space<semaphore_mem>>)
        %dma_start3A_403 = arith.constant 0 : i32
        %dma_start3A_404 = tpu.memref_slice %arg16[%add3A_382, %dma_start3A_403] : memref<128x50xf32, #tpu.memory_space<vmem>> -> memref<1x50xf32, #tpu.memory_space<vmem>>
        %dma_start3A_405 = arith.constant 0 : i32
        %dma_start3A_406 = tpu.memref_slice %arg4[%squeeze3A_384, %dma_start3A_405] : memref<1000000x50xf32, #tpu.memory_space<hbm>> -> memref<1x50xf32, #tpu.memory_space<hbm>>
        %dma_start3A_407 = arith.constant 0 : i32
        %dma_start3A_408 = tpu.memref_slice %arg16[%add3A_382, %dma_start3A_407] : memref<128x50xf32, #tpu.memory_space<vmem>> -> memref<1x50xf32, #tpu.memory_space<vmem>>
        %dma_start3A_409 = arith.constant 0 : i32
        %dma_start3A_410 = tpu.memref_slice %arg4[%squeeze3A_384, %dma_start3A_409] : memref<1000000x50xf32, #tpu.memory_space<hbm>> -> memref<1x50xf32, #tpu.memory_space<hbm>>
        tpu.enqueue_dma source(%dma_start3A_410 : memref<1x50xf32, #tpu.memory_space<hbm>>) target(%dma_start3A_408 : memref<1x50xf32, #tpu.memory_space<vmem>>) target_semaphore(%arg20 : memref<!tpu.dma_semaphore, #tpu.memory_space<semaphore_mem>>)
        %dma_start3A_411 = arith.constant 0 : i32
        %dma_start3A_412 = tpu.memref_slice %arg17[%add3A_382, %dma_start3A_411] : memref<128x50xf32, #tpu.memory_space<vmem>> -> memref<1x50xf32, #tpu.memory_space<vmem>>
        %dma_start3A_413 = arith.constant 0 : i32
        %dma_start3A_414 = tpu.memref_slice %arg5[%squeeze3A_386, %dma_start3A_413] : memref<100000x50xf32, #tpu.memory_space<hbm>> -> memref<1x50xf32, #tpu.memory_space<hbm>>
        %dma_start3A_415 = arith.constant 0 : i32
        %dma_start3A_416 = tpu.memref_slice %arg17[%add3A_382, %dma_start3A_415] : memref<128x50xf32, #tpu.memory_space<vmem>> -> memref<1x50xf32, #tpu.memory_space<vmem>>
        %dma_start3A_417 = arith.constant 0 : i32
        %dma_start3A_418 = tpu.memref_slice %arg5[%squeeze3A_386, %dma_start3A_417] : memref<100000x50xf32, #tpu.memory_space<hbm>> -> memref<1x50xf32, #tpu.memory_space<hbm>>
        tpu.enqueue_dma source(%dma_start3A_418 : memref<1x50xf32, #tpu.memory_space<hbm>>) target(%dma_start3A_416 : memref<1x50xf32, #tpu.memory_space<vmem>>) target_semaphore(%arg21 : memref<!tpu.dma_semaphore, #tpu.memory_space<semaphore_mem>>)
        %mul3A_419 = arith.constant 16 : i32
        %mul3A_420 = arith.muli %scan3A_45, %mul3A_419 : i32
        %add3A_421 = arith.constant 9 : i32
        %add3A_422 = arith.addi %mul3A_420, %add3A_421 : i32
        %slice3A_423 = vector.extract_strided_slice %get3A_53 {offsets = [9], sizes = [1], strides = [1]} : vector<16xi32> to vector<1xi32>
        %squeeze3A_424 = vector.extract %slice3A_423[0] : i32 from vector<1xi32>
        %slice3A_425 = vector.extract_strided_slice %get3A_61 {offsets = [9], sizes = [1], strides = [1]} : vector<16xi32> to vector<1xi32>
        %squeeze3A_426 = vector.extract %slice3A_425[0] : i32 from vector<1xi32>
        %dma_start3A_427 = arith.constant 0 : i32
        %dma_start3A_428 = tpu.memref_slice %arg14[%add3A_422, %dma_start3A_427] : memref<128x32xf32, #tpu.memory_space<vmem>> -> memref<1x32xf32, #tpu.memory_space<vmem>>
        %dma_start3A_429 = arith.constant 0 : i32
        %dma_start3A_430 = tpu.memref_slice %arg2[%squeeze3A_424, %dma_start3A_429] : memref<1000000x32xf32, #tpu.memory_space<hbm>> -> memref<1x32xf32, #tpu.memory_space<hbm>>
        %dma_start3A_431 = arith.constant 0 : i32
        %dma_start3A_432 = tpu.memref_slice %arg14[%add3A_422, %dma_start3A_431] : memref<128x32xf32, #tpu.memory_space<vmem>> -> memref<1x32xf32, #tpu.memory_space<vmem>>
        %dma_start3A_433 = arith.constant 0 : i32
        %dma_start3A_434 = tpu.memref_slice %arg2[%squeeze3A_424, %dma_start3A_433] : memref<1000000x32xf32, #tpu.memory_space<hbm>> -> memref<1x32xf32, #tpu.memory_space<hbm>>
        tpu.enqueue_dma source(%dma_start3A_434 : memref<1x32xf32, #tpu.memory_space<hbm>>) target(%dma_start3A_432 : memref<1x32xf32, #tpu.memory_space<vmem>>) target_semaphore(%arg18 : memref<!tpu.dma_semaphore, #tpu.memory_space<semaphore_mem>>)
        %dma_start3A_435 = arith.constant 0 : i32
        %dma_start3A_436 = tpu.memref_slice %arg15[%add3A_422, %dma_start3A_435] : memref<128x32xf32, #tpu.memory_space<vmem>> -> memref<1x32xf32, #tpu.memory_space<vmem>>
        %dma_start3A_437 = arith.constant 0 : i32
        %dma_start3A_438 = tpu.memref_slice %arg3[%squeeze3A_426, %dma_start3A_437] : memref<100000x32xf32, #tpu.memory_space<hbm>> -> memref<1x32xf32, #tpu.memory_space<hbm>>
        %dma_start3A_439 = arith.constant 0 : i32
        %dma_start3A_440 = tpu.memref_slice %arg15[%add3A_422, %dma_start3A_439] : memref<128x32xf32, #tpu.memory_space<vmem>> -> memref<1x32xf32, #tpu.memory_space<vmem>>
        %dma_start3A_441 = arith.constant 0 : i32
        %dma_start3A_442 = tpu.memref_slice %arg3[%squeeze3A_426, %dma_start3A_441] : memref<100000x32xf32, #tpu.memory_space<hbm>> -> memref<1x32xf32, #tpu.memory_space<hbm>>
        tpu.enqueue_dma source(%dma_start3A_442 : memref<1x32xf32, #tpu.memory_space<hbm>>) target(%dma_start3A_440 : memref<1x32xf32, #tpu.memory_space<vmem>>) target_semaphore(%arg19 : memref<!tpu.dma_semaphore, #tpu.memory_space<semaphore_mem>>)
        %dma_start3A_443 = arith.constant 0 : i32
        %dma_start3A_444 = tpu.memref_slice %arg16[%add3A_422, %dma_start3A_443] : memref<128x50xf32, #tpu.memory_space<vmem>> -> memref<1x50xf32, #tpu.memory_space<vmem>>
        %dma_start3A_445 = arith.constant 0 : i32
        %dma_start3A_446 = tpu.memref_slice %arg4[%squeeze3A_424, %dma_start3A_445] : memref<1000000x50xf32, #tpu.memory_space<hbm>> -> memref<1x50xf32, #tpu.memory_space<hbm>>
        %dma_start3A_447 = arith.constant 0 : i32
        %dma_start3A_448 = tpu.memref_slice %arg16[%add3A_422, %dma_start3A_447] : memref<128x50xf32, #tpu.memory_space<vmem>> -> memref<1x50xf32, #tpu.memory_space<vmem>>
        %dma_start3A_449 = arith.constant 0 : i32
        %dma_start3A_450 = tpu.memref_slice %arg4[%squeeze3A_424, %dma_start3A_449] : memref<1000000x50xf32, #tpu.memory_space<hbm>> -> memref<1x50xf32, #tpu.memory_space<hbm>>
        tpu.enqueue_dma source(%dma_start3A_450 : memref<1x50xf32, #tpu.memory_space<hbm>>) target(%dma_start3A_448 : memref<1x50xf32, #tpu.memory_space<vmem>>) target_semaphore(%arg20 : memref<!tpu.dma_semaphore, #tpu.memory_space<semaphore_mem>>)
        %dma_start3A_451 = arith.constant 0 : i32
        %dma_start3A_452 = tpu.memref_slice %arg17[%add3A_422, %dma_start3A_451] : memref<128x50xf32, #tpu.memory_space<vmem>> -> memref<1x50xf32, #tpu.memory_space<vmem>>
        %dma_start3A_453 = arith.constant 0 : i32
        %dma_start3A_454 = tpu.memref_slice %arg5[%squeeze3A_426, %dma_start3A_453] : memref<100000x50xf32, #tpu.memory_space<hbm>> -> memref<1x50xf32, #tpu.memory_space<hbm>>
        %dma_start3A_455 = arith.constant 0 : i32
        %dma_start3A_456 = tpu.memref_slice %arg17[%add3A_422, %dma_start3A_455] : memref<128x50xf32, #tpu.memory_space<vmem>> -> memref<1x50xf32, #tpu.memory_space<vmem>>
        %dma_start3A_457 = arith.constant 0 : i32
        %dma_start3A_458 = tpu.memref_slice %arg5[%squeeze3A_426, %dma_start3A_457] : memref<100000x50xf32, #tpu.memory_space<hbm>> -> memref<1x50xf32, #tpu.memory_space<hbm>>
        tpu.enqueue_dma source(%dma_start3A_458 : memref<1x50xf32, #tpu.memory_space<hbm>>) target(%dma_start3A_456 : memref<1x50xf32, #tpu.memory_space<vmem>>) target_semaphore(%arg21 : memref<!tpu.dma_semaphore, #tpu.memory_space<semaphore_mem>>)
        %mul3A_459 = arith.constant 16 : i32
        %mul3A_460 = arith.muli %scan3A_45, %mul3A_459 : i32
        %add3A_461 = arith.constant 10 : i32
        %add3A_462 = arith.addi %mul3A_460, %add3A_461 : i32
        %slice3A_463 = vector.extract_strided_slice %get3A_53 {offsets = [10], sizes = [1], strides = [1]} : vector<16xi32> to vector<1xi32>
        %squeeze3A_464 = vector.extract %slice3A_463[0] : i32 from vector<1xi32>
        %slice3A_465 = vector.extract_strided_slice %get3A_61 {offsets = [10], sizes = [1], strides = [1]} : vector<16xi32> to vector<1xi32>
        %squeeze3A_466 = vector.extract %slice3A_465[0] : i32 from vector<1xi32>
        %dma_start3A_467 = arith.constant 0 : i32
        %dma_start3A_468 = tpu.memref_slice %arg14[%add3A_462, %dma_start3A_467] : memref<128x32xf32, #tpu.memory_space<vmem>> -> memref<1x32xf32, #tpu.memory_space<vmem>>
        %dma_start3A_469 = arith.constant 0 : i32
        %dma_start3A_470 = tpu.memref_slice %arg2[%squeeze3A_464, %dma_start3A_469] : memref<1000000x32xf32, #tpu.memory_space<hbm>> -> memref<1x32xf32, #tpu.memory_space<hbm>>
        %dma_start3A_471 = arith.constant 0 : i32
        %dma_start3A_472 = tpu.memref_slice %arg14[%add3A_462, %dma_start3A_471] : memref<128x32xf32, #tpu.memory_space<vmem>> -> memref<1x32xf32, #tpu.memory_space<vmem>>
        %dma_start3A_473 = arith.constant 0 : i32
        %dma_start3A_474 = tpu.memref_slice %arg2[%squeeze3A_464, %dma_start3A_473] : memref<1000000x32xf32, #tpu.memory_space<hbm>> -> memref<1x32xf32, #tpu.memory_space<hbm>>
        tpu.enqueue_dma source(%dma_start3A_474 : memref<1x32xf32, #tpu.memory_space<hbm>>) target(%dma_start3A_472 : memref<1x32xf32, #tpu.memory_space<vmem>>) target_semaphore(%arg18 : memref<!tpu.dma_semaphore, #tpu.memory_space<semaphore_mem>>)
        %dma_start3A_475 = arith.constant 0 : i32
        %dma_start3A_476 = tpu.memref_slice %arg15[%add3A_462, %dma_start3A_475] : memref<128x32xf32, #tpu.memory_space<vmem>> -> memref<1x32xf32, #tpu.memory_space<vmem>>
        %dma_start3A_477 = arith.constant 0 : i32
        %dma_start3A_478 = tpu.memref_slice %arg3[%squeeze3A_466, %dma_start3A_477] : memref<100000x32xf32, #tpu.memory_space<hbm>> -> memref<1x32xf32, #tpu.memory_space<hbm>>
        %dma_start3A_479 = arith.constant 0 : i32
        %dma_start3A_480 = tpu.memref_slice %arg15[%add3A_462, %dma_start3A_479] : memref<128x32xf32, #tpu.memory_space<vmem>> -> memref<1x32xf32, #tpu.memory_space<vmem>>
        %dma_start3A_481 = arith.constant 0 : i32
        %dma_start3A_482 = tpu.memref_slice %arg3[%squeeze3A_466, %dma_start3A_481] : memref<100000x32xf32, #tpu.memory_space<hbm>> -> memref<1x32xf32, #tpu.memory_space<hbm>>
        tpu.enqueue_dma source(%dma_start3A_482 : memref<1x32xf32, #tpu.memory_space<hbm>>) target(%dma_start3A_480 : memref<1x32xf32, #tpu.memory_space<vmem>>) target_semaphore(%arg19 : memref<!tpu.dma_semaphore, #tpu.memory_space<semaphore_mem>>)
        %dma_start3A_483 = arith.constant 0 : i32
        %dma_start3A_484 = tpu.memref_slice %arg16[%add3A_462, %dma_start3A_483] : memref<128x50xf32, #tpu.memory_space<vmem>> -> memref<1x50xf32, #tpu.memory_space<vmem>>
        %dma_start3A_485 = arith.constant 0 : i32
        %dma_start3A_486 = tpu.memref_slice %arg4[%squeeze3A_464, %dma_start3A_485] : memref<1000000x50xf32, #tpu.memory_space<hbm>> -> memref<1x50xf32, #tpu.memory_space<hbm>>
        %dma_start3A_487 = arith.constant 0 : i32
        %dma_start3A_488 = tpu.memref_slice %arg16[%add3A_462, %dma_start3A_487] : memref<128x50xf32, #tpu.memory_space<vmem>> -> memref<1x50xf32, #tpu.memory_space<vmem>>
        %dma_start3A_489 = arith.constant 0 : i32
        %dma_start3A_490 = tpu.memref_slice %arg4[%squeeze3A_464, %dma_start3A_489] : memref<1000000x50xf32, #tpu.memory_space<hbm>> -> memref<1x50xf32, #tpu.memory_space<hbm>>
        tpu.enqueue_dma source(%dma_start3A_490 : memref<1x50xf32, #tpu.memory_space<hbm>>) target(%dma_start3A_488 : memref<1x50xf32, #tpu.memory_space<vmem>>) target_semaphore(%arg20 : memref<!tpu.dma_semaphore, #tpu.memory_space<semaphore_mem>>)
        %dma_start3A_491 = arith.constant 0 : i32
        %dma_start3A_492 = tpu.memref_slice %arg17[%add3A_462, %dma_start3A_491] : memref<128x50xf32, #tpu.memory_space<vmem>> -> memref<1x50xf32, #tpu.memory_space<vmem>>
        %dma_start3A_493 = arith.constant 0 : i32
        %dma_start3A_494 = tpu.memref_slice %arg5[%squeeze3A_466, %dma_start3A_493] : memref<100000x50xf32, #tpu.memory_space<hbm>> -> memref<1x50xf32, #tpu.memory_space<hbm>>
        %dma_start3A_495 = arith.constant 0 : i32
        %dma_start3A_496 = tpu.memref_slice %arg17[%add3A_462, %dma_start3A_495] : memref<128x50xf32, #tpu.memory_space<vmem>> -> memref<1x50xf32, #tpu.memory_space<vmem>>
        %dma_start3A_497 = arith.constant 0 : i32
        %dma_start3A_498 = tpu.memref_slice %arg5[%squeeze3A_466, %dma_start3A_497] : memref<100000x50xf32, #tpu.memory_space<hbm>> -> memref<1x50xf32, #tpu.memory_space<hbm>>
        tpu.enqueue_dma source(%dma_start3A_498 : memref<1x50xf32, #tpu.memory_space<hbm>>) target(%dma_start3A_496 : memref<1x50xf32, #tpu.memory_space<vmem>>) target_semaphore(%arg21 : memref<!tpu.dma_semaphore, #tpu.memory_space<semaphore_mem>>)
        %mul3A_499 = arith.constant 16 : i32
        %mul3A_500 = arith.muli %scan3A_45, %mul3A_499 : i32
        %add3A_501 = arith.constant 11 : i32
        %add3A_502 = arith.addi %mul3A_500, %add3A_501 : i32
        %slice3A_503 = vector.extract_strided_slice %get3A_53 {offsets = [11], sizes = [1], strides = [1]} : vector<16xi32> to vector<1xi32>
        %squeeze3A_504 = vector.extract %slice3A_503[0] : i32 from vector<1xi32>
        %slice3A_505 = vector.extract_strided_slice %get3A_61 {offsets = [11], sizes = [1], strides = [1]} : vector<16xi32> to vector<1xi32>
        %squeeze3A_506 = vector.extract %slice3A_505[0] : i32 from vector<1xi32>
        %dma_start3A_507 = arith.constant 0 : i32
        %dma_start3A_508 = tpu.memref_slice %arg14[%add3A_502, %dma_start3A_507] : memref<128x32xf32, #tpu.memory_space<vmem>> -> memref<1x32xf32, #tpu.memory_space<vmem>>
        %dma_start3A_509 = arith.constant 0 : i32
        %dma_start3A_510 = tpu.memref_slice %arg2[%squeeze3A_504, %dma_start3A_509] : memref<1000000x32xf32, #tpu.memory_space<hbm>> -> memref<1x32xf32, #tpu.memory_space<hbm>>
        %dma_start3A_511 = arith.constant 0 : i32
        %dma_start3A_512 = tpu.memref_slice %arg14[%add3A_502, %dma_start3A_511] : memref<128x32xf32, #tpu.memory_space<vmem>> -> memref<1x32xf32, #tpu.memory_space<vmem>>
        %dma_start3A_513 = arith.constant 0 : i32
        %dma_start3A_514 = tpu.memref_slice %arg2[%squeeze3A_504, %dma_start3A_513] : memref<1000000x32xf32, #tpu.memory_space<hbm>> -> memref<1x32xf32, #tpu.memory_space<hbm>>
        tpu.enqueue_dma source(%dma_start3A_514 : memref<1x32xf32, #tpu.memory_space<hbm>>) target(%dma_start3A_512 : memref<1x32xf32, #tpu.memory_space<vmem>>) target_semaphore(%arg18 : memref<!tpu.dma_semaphore, #tpu.memory_space<semaphore_mem>>)
        %dma_start3A_515 = arith.constant 0 : i32
        %dma_start3A_516 = tpu.memref_slice %arg15[%add3A_502, %dma_start3A_515] : memref<128x32xf32, #tpu.memory_space<vmem>> -> memref<1x32xf32, #tpu.memory_space<vmem>>
        %dma_start3A_517 = arith.constant 0 : i32
        %dma_start3A_518 = tpu.memref_slice %arg3[%squeeze3A_506, %dma_start3A_517] : memref<100000x32xf32, #tpu.memory_space<hbm>> -> memref<1x32xf32, #tpu.memory_space<hbm>>
        %dma_start3A_519 = arith.constant 0 : i32
        %dma_start3A_520 = tpu.memref_slice %arg15[%add3A_502, %dma_start3A_519] : memref<128x32xf32, #tpu.memory_space<vmem>> -> memref<1x32xf32, #tpu.memory_space<vmem>>
        %dma_start3A_521 = arith.constant 0 : i32
        %dma_start3A_522 = tpu.memref_slice %arg3[%squeeze3A_506, %dma_start3A_521] : memref<100000x32xf32, #tpu.memory_space<hbm>> -> memref<1x32xf32, #tpu.memory_space<hbm>>
        tpu.enqueue_dma source(%dma_start3A_522 : memref<1x32xf32, #tpu.memory_space<hbm>>) target(%dma_start3A_520 : memref<1x32xf32, #tpu.memory_space<vmem>>) target_semaphore(%arg19 : memref<!tpu.dma_semaphore, #tpu.memory_space<semaphore_mem>>)
        %dma_start3A_523 = arith.constant 0 : i32
        %dma_start3A_524 = tpu.memref_slice %arg16[%add3A_502, %dma_start3A_523] : memref<128x50xf32, #tpu.memory_space<vmem>> -> memref<1x50xf32, #tpu.memory_space<vmem>>
        %dma_start3A_525 = arith.constant 0 : i32
        %dma_start3A_526 = tpu.memref_slice %arg4[%squeeze3A_504, %dma_start3A_525] : memref<1000000x50xf32, #tpu.memory_space<hbm>> -> memref<1x50xf32, #tpu.memory_space<hbm>>
        %dma_start3A_527 = arith.constant 0 : i32
        %dma_start3A_528 = tpu.memref_slice %arg16[%add3A_502, %dma_start3A_527] : memref<128x50xf32, #tpu.memory_space<vmem>> -> memref<1x50xf32, #tpu.memory_space<vmem>>
        %dma_start3A_529 = arith.constant 0 : i32
        %dma_start3A_530 = tpu.memref_slice %arg4[%squeeze3A_504, %dma_start3A_529] : memref<1000000x50xf32, #tpu.memory_space<hbm>> -> memref<1x50xf32, #tpu.memory_space<hbm>>
        tpu.enqueue_dma source(%dma_start3A_530 : memref<1x50xf32, #tpu.memory_space<hbm>>) target(%dma_start3A_528 : memref<1x50xf32, #tpu.memory_space<vmem>>) target_semaphore(%arg20 : memref<!tpu.dma_semaphore, #tpu.memory_space<semaphore_mem>>)
        %dma_start3A_531 = arith.constant 0 : i32
        %dma_start3A_532 = tpu.memref_slice %arg17[%add3A_502, %dma_start3A_531] : memref<128x50xf32, #tpu.memory_space<vmem>> -> memref<1x50xf32, #tpu.memory_space<vmem>>
        %dma_start3A_533 = arith.constant 0 : i32
        %dma_start3A_534 = tpu.memref_slice %arg5[%squeeze3A_506, %dma_start3A_533] : memref<100000x50xf32, #tpu.memory_space<hbm>> -> memref<1x50xf32, #tpu.memory_space<hbm>>
        %dma_start3A_535 = arith.constant 0 : i32
        %dma_start3A_536 = tpu.memref_slice %arg17[%add3A_502, %dma_start3A_535] : memref<128x50xf32, #tpu.memory_space<vmem>> -> memref<1x50xf32, #tpu.memory_space<vmem>>
        %dma_start3A_537 = arith.constant 0 : i32
        %dma_start3A_538 = tpu.memref_slice %arg5[%squeeze3A_506, %dma_start3A_537] : memref<100000x50xf32, #tpu.memory_space<hbm>> -> memref<1x50xf32, #tpu.memory_space<hbm>>
        tpu.enqueue_dma source(%dma_start3A_538 : memref<1x50xf32, #tpu.memory_space<hbm>>) target(%dma_start3A_536 : memref<1x50xf32, #tpu.memory_space<vmem>>) target_semaphore(%arg21 : memref<!tpu.dma_semaphore, #tpu.memory_space<semaphore_mem>>)
        %mul3A_539 = arith.constant 16 : i32
        %mul3A_540 = arith.muli %scan3A_45, %mul3A_539 : i32
        %add3A_541 = arith.constant 12 : i32
        %add3A_542 = arith.addi %mul3A_540, %add3A_541 : i32
        %slice3A_543 = vector.extract_strided_slice %get3A_53 {offsets = [12], sizes = [1], strides = [1]} : vector<16xi32> to vector<1xi32>
        %squeeze3A_544 = vector.extract %slice3A_543[0] : i32 from vector<1xi32>
        %slice3A_545 = vector.extract_strided_slice %get3A_61 {offsets = [12], sizes = [1], strides = [1]} : vector<16xi32> to vector<1xi32>
        %squeeze3A_546 = vector.extract %slice3A_545[0] : i32 from vector<1xi32>
        %dma_start3A_547 = arith.constant 0 : i32
        %dma_start3A_548 = tpu.memref_slice %arg14[%add3A_542, %dma_start3A_547] : memref<128x32xf32, #tpu.memory_space<vmem>> -> memref<1x32xf32, #tpu.memory_space<vmem>>
        %dma_start3A_549 = arith.constant 0 : i32
        %dma_start3A_550 = tpu.memref_slice %arg2[%squeeze3A_544, %dma_start3A_549] : memref<1000000x32xf32, #tpu.memory_space<hbm>> -> memref<1x32xf32, #tpu.memory_space<hbm>>
        %dma_start3A_551 = arith.constant 0 : i32
        %dma_start3A_552 = tpu.memref_slice %arg14[%add3A_542, %dma_start3A_551] : memref<128x32xf32, #tpu.memory_space<vmem>> -> memref<1x32xf32, #tpu.memory_space<vmem>>
        %dma_start3A_553 = arith.constant 0 : i32
        %dma_start3A_554 = tpu.memref_slice %arg2[%squeeze3A_544, %dma_start3A_553] : memref<1000000x32xf32, #tpu.memory_space<hbm>> -> memref<1x32xf32, #tpu.memory_space<hbm>>
        tpu.enqueue_dma source(%dma_start3A_554 : memref<1x32xf32, #tpu.memory_space<hbm>>) target(%dma_start3A_552 : memref<1x32xf32, #tpu.memory_space<vmem>>) target_semaphore(%arg18 : memref<!tpu.dma_semaphore, #tpu.memory_space<semaphore_mem>>)
        %dma_start3A_555 = arith.constant 0 : i32
        %dma_start3A_556 = tpu.memref_slice %arg15[%add3A_542, %dma_start3A_555] : memref<128x32xf32, #tpu.memory_space<vmem>> -> memref<1x32xf32, #tpu.memory_space<vmem>>
        %dma_start3A_557 = arith.constant 0 : i32
        %dma_start3A_558 = tpu.memref_slice %arg3[%squeeze3A_546, %dma_start3A_557] : memref<100000x32xf32, #tpu.memory_space<hbm>> -> memref<1x32xf32, #tpu.memory_space<hbm>>
        %dma_start3A_559 = arith.constant 0 : i32
        %dma_start3A_560 = tpu.memref_slice %arg15[%add3A_542, %dma_start3A_559] : memref<128x32xf32, #tpu.memory_space<vmem>> -> memref<1x32xf32, #tpu.memory_space<vmem>>
        %dma_start3A_561 = arith.constant 0 : i32
        %dma_start3A_562 = tpu.memref_slice %arg3[%squeeze3A_546, %dma_start3A_561] : memref<100000x32xf32, #tpu.memory_space<hbm>> -> memref<1x32xf32, #tpu.memory_space<hbm>>
        tpu.enqueue_dma source(%dma_start3A_562 : memref<1x32xf32, #tpu.memory_space<hbm>>) target(%dma_start3A_560 : memref<1x32xf32, #tpu.memory_space<vmem>>) target_semaphore(%arg19 : memref<!tpu.dma_semaphore, #tpu.memory_space<semaphore_mem>>)
        %dma_start3A_563 = arith.constant 0 : i32
        %dma_start3A_564 = tpu.memref_slice %arg16[%add3A_542, %dma_start3A_563] : memref<128x50xf32, #tpu.memory_space<vmem>> -> memref<1x50xf32, #tpu.memory_space<vmem>>
        %dma_start3A_565 = arith.constant 0 : i32
        %dma_start3A_566 = tpu.memref_slice %arg4[%squeeze3A_544, %dma_start3A_565] : memref<1000000x50xf32, #tpu.memory_space<hbm>> -> memref<1x50xf32, #tpu.memory_space<hbm>>
        %dma_start3A_567 = arith.constant 0 : i32
        %dma_start3A_568 = tpu.memref_slice %arg16[%add3A_542, %dma_start3A_567] : memref<128x50xf32, #tpu.memory_space<vmem>> -> memref<1x50xf32, #tpu.memory_space<vmem>>
        %dma_start3A_569 = arith.constant 0 : i32
        %dma_start3A_570 = tpu.memref_slice %arg4[%squeeze3A_544, %dma_start3A_569] : memref<1000000x50xf32, #tpu.memory_space<hbm>> -> memref<1x50xf32, #tpu.memory_space<hbm>>
        tpu.enqueue_dma source(%dma_start3A_570 : memref<1x50xf32, #tpu.memory_space<hbm>>) target(%dma_start3A_568 : memref<1x50xf32, #tpu.memory_space<vmem>>) target_semaphore(%arg20 : memref<!tpu.dma_semaphore, #tpu.memory_space<semaphore_mem>>)
        %dma_start3A_571 = arith.constant 0 : i32
        %dma_start3A_572 = tpu.memref_slice %arg17[%add3A_542, %dma_start3A_571] : memref<128x50xf32, #tpu.memory_space<vmem>> -> memref<1x50xf32, #tpu.memory_space<vmem>>
        %dma_start3A_573 = arith.constant 0 : i32
        %dma_start3A_574 = tpu.memref_slice %arg5[%squeeze3A_546, %dma_start3A_573] : memref<100000x50xf32, #tpu.memory_space<hbm>> -> memref<1x50xf32, #tpu.memory_space<hbm>>
        %dma_start3A_575 = arith.constant 0 : i32
        %dma_start3A_576 = tpu.memref_slice %arg17[%add3A_542, %dma_start3A_575] : memref<128x50xf32, #tpu.memory_space<vmem>> -> memref<1x50xf32, #tpu.memory_space<vmem>>
        %dma_start3A_577 = arith.constant 0 : i32
        %dma_start3A_578 = tpu.memref_slice %arg5[%squeeze3A_546, %dma_start3A_577] : memref<100000x50xf32, #tpu.memory_space<hbm>> -> memref<1x50xf32, #tpu.memory_space<hbm>>
        tpu.enqueue_dma source(%dma_start3A_578 : memref<1x50xf32, #tpu.memory_space<hbm>>) target(%dma_start3A_576 : memref<1x50xf32, #tpu.memory_space<vmem>>) target_semaphore(%arg21 : memref<!tpu.dma_semaphore, #tpu.memory_space<semaphore_mem>>)
        %mul3A_579 = arith.constant 16 : i32
        %mul3A_580 = arith.muli %scan3A_45, %mul3A_579 : i32
        %add3A_581 = arith.constant 13 : i32
        %add3A_582 = arith.addi %mul3A_580, %add3A_581 : i32
        %slice3A_583 = vector.extract_strided_slice %get3A_53 {offsets = [13], sizes = [1], strides = [1]} : vector<16xi32> to vector<1xi32>
        %squeeze3A_584 = vector.extract %slice3A_583[0] : i32 from vector<1xi32>
        %slice3A_585 = vector.extract_strided_slice %get3A_61 {offsets = [13], sizes = [1], strides = [1]} : vector<16xi32> to vector<1xi32>
        %squeeze3A_586 = vector.extract %slice3A_585[0] : i32 from vector<1xi32>
        %dma_start3A_587 = arith.constant 0 : i32
        %dma_start3A_588 = tpu.memref_slice %arg14[%add3A_582, %dma_start3A_587] : memref<128x32xf32, #tpu.memory_space<vmem>> -> memref<1x32xf32, #tpu.memory_space<vmem>>
        %dma_start3A_589 = arith.constant 0 : i32
        %dma_start3A_590 = tpu.memref_slice %arg2[%squeeze3A_584, %dma_start3A_589] : memref<1000000x32xf32, #tpu.memory_space<hbm>> -> memref<1x32xf32, #tpu.memory_space<hbm>>
        %dma_start3A_591 = arith.constant 0 : i32
        %dma_start3A_592 = tpu.memref_slice %arg14[%add3A_582, %dma_start3A_591] : memref<128x32xf32, #tpu.memory_space<vmem>> -> memref<1x32xf32, #tpu.memory_space<vmem>>
        %dma_start3A_593 = arith.constant 0 : i32
        %dma_start3A_594 = tpu.memref_slice %arg2[%squeeze3A_584, %dma_start3A_593] : memref<1000000x32xf32, #tpu.memory_space<hbm>> -> memref<1x32xf32, #tpu.memory_space<hbm>>
        tpu.enqueue_dma source(%dma_start3A_594 : memref<1x32xf32, #tpu.memory_space<hbm>>) target(%dma_start3A_592 : memref<1x32xf32, #tpu.memory_space<vmem>>) target_semaphore(%arg18 : memref<!tpu.dma_semaphore, #tpu.memory_space<semaphore_mem>>)
        %dma_start3A_595 = arith.constant 0 : i32
        %dma_start3A_596 = tpu.memref_slice %arg15[%add3A_582, %dma_start3A_595] : memref<128x32xf32, #tpu.memory_space<vmem>> -> memref<1x32xf32, #tpu.memory_space<vmem>>
        %dma_start3A_597 = arith.constant 0 : i32
        %dma_start3A_598 = tpu.memref_slice %arg3[%squeeze3A_586, %dma_start3A_597] : memref<100000x32xf32, #tpu.memory_space<hbm>> -> memref<1x32xf32, #tpu.memory_space<hbm>>
        %dma_start3A_599 = arith.constant 0 : i32
        %dma_start3A_600 = tpu.memref_slice %arg15[%add3A_582, %dma_start3A_599] : memref<128x32xf32, #tpu.memory_space<vmem>> -> memref<1x32xf32, #tpu.memory_space<vmem>>
        %dma_start3A_601 = arith.constant 0 : i32
        %dma_start3A_602 = tpu.memref_slice %arg3[%squeeze3A_586, %dma_start3A_601] : memref<100000x32xf32, #tpu.memory_space<hbm>> -> memref<1x32xf32, #tpu.memory_space<hbm>>
        tpu.enqueue_dma source(%dma_start3A_602 : memref<1x32xf32, #tpu.memory_space<hbm>>) target(%dma_start3A_600 : memref<1x32xf32, #tpu.memory_space<vmem>>) target_semaphore(%arg19 : memref<!tpu.dma_semaphore, #tpu.memory_space<semaphore_mem>>)
        %dma_start3A_603 = arith.constant 0 : i32
        %dma_start3A_604 = tpu.memref_slice %arg16[%add3A_582, %dma_start3A_603] : memref<128x50xf32, #tpu.memory_space<vmem>> -> memref<1x50xf32, #tpu.memory_space<vmem>>
        %dma_start3A_605 = arith.constant 0 : i32
        %dma_start3A_606 = tpu.memref_slice %arg4[%squeeze3A_584, %dma_start3A_605] : memref<1000000x50xf32, #tpu.memory_space<hbm>> -> memref<1x50xf32, #tpu.memory_space<hbm>>
        %dma_start3A_607 = arith.constant 0 : i32
        %dma_start3A_608 = tpu.memref_slice %arg16[%add3A_582, %dma_start3A_607] : memref<128x50xf32, #tpu.memory_space<vmem>> -> memref<1x50xf32, #tpu.memory_space<vmem>>
        %dma_start3A_609 = arith.constant 0 : i32
        %dma_start3A_610 = tpu.memref_slice %arg4[%squeeze3A_584, %dma_start3A_609] : memref<1000000x50xf32, #tpu.memory_space<hbm>> -> memref<1x50xf32, #tpu.memory_space<hbm>>
        tpu.enqueue_dma source(%dma_start3A_610 : memref<1x50xf32, #tpu.memory_space<hbm>>) target(%dma_start3A_608 : memref<1x50xf32, #tpu.memory_space<vmem>>) target_semaphore(%arg20 : memref<!tpu.dma_semaphore, #tpu.memory_space<semaphore_mem>>)
        %dma_start3A_611 = arith.constant 0 : i32
        %dma_start3A_612 = tpu.memref_slice %arg17[%add3A_582, %dma_start3A_611] : memref<128x50xf32, #tpu.memory_space<vmem>> -> memref<1x50xf32, #tpu.memory_space<vmem>>
        %dma_start3A_613 = arith.constant 0 : i32
        %dma_start3A_614 = tpu.memref_slice %arg5[%squeeze3A_586, %dma_start3A_613] : memref<100000x50xf32, #tpu.memory_space<hbm>> -> memref<1x50xf32, #tpu.memory_space<hbm>>
        %dma_start3A_615 = arith.constant 0 : i32
        %dma_start3A_616 = tpu.memref_slice %arg17[%add3A_582, %dma_start3A_615] : memref<128x50xf32, #tpu.memory_space<vmem>> -> memref<1x50xf32, #tpu.memory_space<vmem>>
        %dma_start3A_617 = arith.constant 0 : i32
        %dma_start3A_618 = tpu.memref_slice %arg5[%squeeze3A_586, %dma_start3A_617] : memref<100000x50xf32, #tpu.memory_space<hbm>> -> memref<1x50xf32, #tpu.memory_space<hbm>>
        tpu.enqueue_dma source(%dma_start3A_618 : memref<1x50xf32, #tpu.memory_space<hbm>>) target(%dma_start3A_616 : memref<1x50xf32, #tpu.memory_space<vmem>>) target_semaphore(%arg21 : memref<!tpu.dma_semaphore, #tpu.memory_space<semaphore_mem>>)
        %mul3A_619 = arith.constant 16 : i32
        %mul3A_620 = arith.muli %scan3A_45, %mul3A_619 : i32
        %add3A_621 = arith.constant 14 : i32
        %add3A_622 = arith.addi %mul3A_620, %add3A_621 : i32
        %slice3A_623 = vector.extract_strided_slice %get3A_53 {offsets = [14], sizes = [1], strides = [1]} : vector<16xi32> to vector<1xi32>
        %squeeze3A_624 = vector.extract %slice3A_623[0] : i32 from vector<1xi32>
        %slice3A_625 = vector.extract_strided_slice %get3A_61 {offsets = [14], sizes = [1], strides = [1]} : vector<16xi32> to vector<1xi32>
        %squeeze3A_626 = vector.extract %slice3A_625[0] : i32 from vector<1xi32>
        %dma_start3A_627 = arith.constant 0 : i32
        %dma_start3A_628 = tpu.memref_slice %arg14[%add3A_622, %dma_start3A_627] : memref<128x32xf32, #tpu.memory_space<vmem>> -> memref<1x32xf32, #tpu.memory_space<vmem>>
        %dma_start3A_629 = arith.constant 0 : i32
        %dma_start3A_630 = tpu.memref_slice %arg2[%squeeze3A_624, %dma_start3A_629] : memref<1000000x32xf32, #tpu.memory_space<hbm>> -> memref<1x32xf32, #tpu.memory_space<hbm>>
        %dma_start3A_631 = arith.constant 0 : i32
        %dma_start3A_632 = tpu.memref_slice %arg14[%add3A_622, %dma_start3A_631] : memref<128x32xf32, #tpu.memory_space<vmem>> -> memref<1x32xf32, #tpu.memory_space<vmem>>
        %dma_start3A_633 = arith.constant 0 : i32
        %dma_start3A_634 = tpu.memref_slice %arg2[%squeeze3A_624, %dma_start3A_633] : memref<1000000x32xf32, #tpu.memory_space<hbm>> -> memref<1x32xf32, #tpu.memory_space<hbm>>
        tpu.enqueue_dma source(%dma_start3A_634 : memref<1x32xf32, #tpu.memory_space<hbm>>) target(%dma_start3A_632 : memref<1x32xf32, #tpu.memory_space<vmem>>) target_semaphore(%arg18 : memref<!tpu.dma_semaphore, #tpu.memory_space<semaphore_mem>>)
        %dma_start3A_635 = arith.constant 0 : i32
        %dma_start3A_636 = tpu.memref_slice %arg15[%add3A_622, %dma_start3A_635] : memref<128x32xf32, #tpu.memory_space<vmem>> -> memref<1x32xf32, #tpu.memory_space<vmem>>
        %dma_start3A_637 = arith.constant 0 : i32
        %dma_start3A_638 = tpu.memref_slice %arg3[%squeeze3A_626, %dma_start3A_637] : memref<100000x32xf32, #tpu.memory_space<hbm>> -> memref<1x32xf32, #tpu.memory_space<hbm>>
        %dma_start3A_639 = arith.constant 0 : i32
        %dma_start3A_640 = tpu.memref_slice %arg15[%add3A_622, %dma_start3A_639] : memref<128x32xf32, #tpu.memory_space<vmem>> -> memref<1x32xf32, #tpu.memory_space<vmem>>
        %dma_start3A_641 = arith.constant 0 : i32
        %dma_start3A_642 = tpu.memref_slice %arg3[%squeeze3A_626, %dma_start3A_641] : memref<100000x32xf32, #tpu.memory_space<hbm>> -> memref<1x32xf32, #tpu.memory_space<hbm>>
        tpu.enqueue_dma source(%dma_start3A_642 : memref<1x32xf32, #tpu.memory_space<hbm>>) target(%dma_start3A_640 : memref<1x32xf32, #tpu.memory_space<vmem>>) target_semaphore(%arg19 : memref<!tpu.dma_semaphore, #tpu.memory_space<semaphore_mem>>)
        %dma_start3A_643 = arith.constant 0 : i32
        %dma_start3A_644 = tpu.memref_slice %arg16[%add3A_622, %dma_start3A_643] : memref<128x50xf32, #tpu.memory_space<vmem>> -> memref<1x50xf32, #tpu.memory_space<vmem>>
        %dma_start3A_645 = arith.constant 0 : i32
        %dma_start3A_646 = tpu.memref_slice %arg4[%squeeze3A_624, %dma_start3A_645] : memref<1000000x50xf32, #tpu.memory_space<hbm>> -> memref<1x50xf32, #tpu.memory_space<hbm>>
        %dma_start3A_647 = arith.constant 0 : i32
        %dma_start3A_648 = tpu.memref_slice %arg16[%add3A_622, %dma_start3A_647] : memref<128x50xf32, #tpu.memory_space<vmem>> -> memref<1x50xf32, #tpu.memory_space<vmem>>
        %dma_start3A_649 = arith.constant 0 : i32
        %dma_start3A_650 = tpu.memref_slice %arg4[%squeeze3A_624, %dma_start3A_649] : memref<1000000x50xf32, #tpu.memory_space<hbm>> -> memref<1x50xf32, #tpu.memory_space<hbm>>
        tpu.enqueue_dma source(%dma_start3A_650 : memref<1x50xf32, #tpu.memory_space<hbm>>) target(%dma_start3A_648 : memref<1x50xf32, #tpu.memory_space<vmem>>) target_semaphore(%arg20 : memref<!tpu.dma_semaphore, #tpu.memory_space<semaphore_mem>>)
        %dma_start3A_651 = arith.constant 0 : i32
        %dma_start3A_652 = tpu.memref_slice %arg17[%add3A_622, %dma_start3A_651] : memref<128x50xf32, #tpu.memory_space<vmem>> -> memref<1x50xf32, #tpu.memory_space<vmem>>
        %dma_start3A_653 = arith.constant 0 : i32
        %dma_start3A_654 = tpu.memref_slice %arg5[%squeeze3A_626, %dma_start3A_653] : memref<100000x50xf32, #tpu.memory_space<hbm>> -> memref<1x50xf32, #tpu.memory_space<hbm>>
        %dma_start3A_655 = arith.constant 0 : i32
        %dma_start3A_656 = tpu.memref_slice %arg17[%add3A_622, %dma_start3A_655] : memref<128x50xf32, #tpu.memory_space<vmem>> -> memref<1x50xf32, #tpu.memory_space<vmem>>
        %dma_start3A_657 = arith.constant 0 : i32
        %dma_start3A_658 = tpu.memref_slice %arg5[%squeeze3A_626, %dma_start3A_657] : memref<100000x50xf32, #tpu.memory_space<hbm>> -> memref<1x50xf32, #tpu.memory_space<hbm>>
        tpu.enqueue_dma source(%dma_start3A_658 : memref<1x50xf32, #tpu.memory_space<hbm>>) target(%dma_start3A_656 : memref<1x50xf32, #tpu.memory_space<vmem>>) target_semaphore(%arg21 : memref<!tpu.dma_semaphore, #tpu.memory_space<semaphore_mem>>)
        %mul3A_659 = arith.constant 16 : i32
        %mul3A_660 = arith.muli %scan3A_45, %mul3A_659 : i32
        %add3A_661 = arith.constant 15 : i32
        %add3A_662 = arith.addi %mul3A_660, %add3A_661 : i32
        %slice3A_663 = vector.extract_strided_slice %get3A_53 {offsets = [15], sizes = [1], strides = [1]} : vector<16xi32> to vector<1xi32>
        %squeeze3A_664 = vector.extract %slice3A_663[0] : i32 from vector<1xi32>
        %slice3A_665 = vector.extract_strided_slice %get3A_61 {offsets = [15], sizes = [1], strides = [1]} : vector<16xi32> to vector<1xi32>
        %squeeze3A_666 = vector.extract %slice3A_665[0] : i32 from vector<1xi32>
        %dma_start3A_667 = arith.constant 0 : i32
        %dma_start3A_668 = tpu.memref_slice %arg14[%add3A_662, %dma_start3A_667] : memref<128x32xf32, #tpu.memory_space<vmem>> -> memref<1x32xf32, #tpu.memory_space<vmem>>
        %dma_start3A_669 = arith.constant 0 : i32
        %dma_start3A_670 = tpu.memref_slice %arg2[%squeeze3A_664, %dma_start3A_669] : memref<1000000x32xf32, #tpu.memory_space<hbm>> -> memref<1x32xf32, #tpu.memory_space<hbm>>
        %dma_start3A_671 = arith.constant 0 : i32
        %dma_start3A_672 = tpu.memref_slice %arg14[%add3A_662, %dma_start3A_671] : memref<128x32xf32, #tpu.memory_space<vmem>> -> memref<1x32xf32, #tpu.memory_space<vmem>>
        %dma_start3A_673 = arith.constant 0 : i32
        %dma_start3A_674 = tpu.memref_slice %arg2[%squeeze3A_664, %dma_start3A_673] : memref<1000000x32xf32, #tpu.memory_space<hbm>> -> memref<1x32xf32, #tpu.memory_space<hbm>>
        tpu.enqueue_dma source(%dma_start3A_674 : memref<1x32xf32, #tpu.memory_space<hbm>>) target(%dma_start3A_672 : memref<1x32xf32, #tpu.memory_space<vmem>>) target_semaphore(%arg18 : memref<!tpu.dma_semaphore, #tpu.memory_space<semaphore_mem>>)
        %dma_start3A_675 = arith.constant 0 : i32
        %dma_start3A_676 = tpu.memref_slice %arg15[%add3A_662, %dma_start3A_675] : memref<128x32xf32, #tpu.memory_space<vmem>> -> memref<1x32xf32, #tpu.memory_space<vmem>>
        %dma_start3A_677 = arith.constant 0 : i32
        %dma_start3A_678 = tpu.memref_slice %arg3[%squeeze3A_666, %dma_start3A_677] : memref<100000x32xf32, #tpu.memory_space<hbm>> -> memref<1x32xf32, #tpu.memory_space<hbm>>
        %dma_start3A_679 = arith.constant 0 : i32
        %dma_start3A_680 = tpu.memref_slice %arg15[%add3A_662, %dma_start3A_679] : memref<128x32xf32, #tpu.memory_space<vmem>> -> memref<1x32xf32, #tpu.memory_space<vmem>>
        %dma_start3A_681 = arith.constant 0 : i32
        %dma_start3A_682 = tpu.memref_slice %arg3[%squeeze3A_666, %dma_start3A_681] : memref<100000x32xf32, #tpu.memory_space<hbm>> -> memref<1x32xf32, #tpu.memory_space<hbm>>
        tpu.enqueue_dma source(%dma_start3A_682 : memref<1x32xf32, #tpu.memory_space<hbm>>) target(%dma_start3A_680 : memref<1x32xf32, #tpu.memory_space<vmem>>) target_semaphore(%arg19 : memref<!tpu.dma_semaphore, #tpu.memory_space<semaphore_mem>>)
        %dma_start3A_683 = arith.constant 0 : i32
        %dma_start3A_684 = tpu.memref_slice %arg16[%add3A_662, %dma_start3A_683] : memref<128x50xf32, #tpu.memory_space<vmem>> -> memref<1x50xf32, #tpu.memory_space<vmem>>
        %dma_start3A_685 = arith.constant 0 : i32
        %dma_start3A_686 = tpu.memref_slice %arg4[%squeeze3A_664, %dma_start3A_685] : memref<1000000x50xf32, #tpu.memory_space<hbm>> -> memref<1x50xf32, #tpu.memory_space<hbm>>
        %dma_start3A_687 = arith.constant 0 : i32
        %dma_start3A_688 = tpu.memref_slice %arg16[%add3A_662, %dma_start3A_687] : memref<128x50xf32, #tpu.memory_space<vmem>> -> memref<1x50xf32, #tpu.memory_space<vmem>>
        %dma_start3A_689 = arith.constant 0 : i32
        %dma_start3A_690 = tpu.memref_slice %arg4[%squeeze3A_664, %dma_start3A_689] : memref<1000000x50xf32, #tpu.memory_space<hbm>> -> memref<1x50xf32, #tpu.memory_space<hbm>>
        tpu.enqueue_dma source(%dma_start3A_690 : memref<1x50xf32, #tpu.memory_space<hbm>>) target(%dma_start3A_688 : memref<1x50xf32, #tpu.memory_space<vmem>>) target_semaphore(%arg20 : memref<!tpu.dma_semaphore, #tpu.memory_space<semaphore_mem>>)
        %dma_start3A_691 = arith.constant 0 : i32
        %dma_start3A_692 = tpu.memref_slice %arg17[%add3A_662, %dma_start3A_691] : memref<128x50xf32, #tpu.memory_space<vmem>> -> memref<1x50xf32, #tpu.memory_space<vmem>>
        %dma_start3A_693 = arith.constant 0 : i32
        %dma_start3A_694 = tpu.memref_slice %arg5[%squeeze3A_666, %dma_start3A_693] : memref<100000x50xf32, #tpu.memory_space<hbm>> -> memref<1x50xf32, #tpu.memory_space<hbm>>
        %dma_start3A_695 = arith.constant 0 : i32
        %dma_start3A_696 = tpu.memref_slice %arg17[%add3A_662, %dma_start3A_695] : memref<128x50xf32, #tpu.memory_space<vmem>> -> memref<1x50xf32, #tpu.memory_space<vmem>>
        %dma_start3A_697 = arith.constant 0 : i32
        %dma_start3A_698 = tpu.memref_slice %arg5[%squeeze3A_666, %dma_start3A_697] : memref<100000x50xf32, #tpu.memory_space<hbm>> -> memref<1x50xf32, #tpu.memory_space<hbm>>
        tpu.enqueue_dma source(%dma_start3A_698 : memref<1x50xf32, #tpu.memory_space<hbm>>) target(%dma_start3A_696 : memref<1x50xf32, #tpu.memory_space<vmem>>) target_semaphore(%arg21 : memref<!tpu.dma_semaphore, #tpu.memory_space<semaphore_mem>>)
        %scan3A_699 = arith.constant 0 : i32
        scf.yield %scan3A_699 : i32
      }
      %scan3A_17 = arith.constant 8 : i32
      %dma_wait3A = arith.constant 0 : i32
      %dma_wait3A_18 = arith.constant 0 : i32
      %dma_wait3A_19 = tpu.memref_slice %arg2[%dma_wait3A, %dma_wait3A_18] : memref<1000000x32xf32, #tpu.memory_space<hbm>> -> memref<128x32xf32, #tpu.memory_space<hbm>>
      %dma_wait3A_20 = arith.constant 0 : i32
      %dma_wait3A_21 = arith.constant 0 : i32
      %dma_wait3A_22 = tpu.memref_slice %arg2[%dma_wait3A_20, %dma_wait3A_21] : memref<1000000x32xf32, #tpu.memory_space<hbm>> -> memref<128x32xf32, #tpu.memory_space<hbm>>
      tpu.wait_dma2 semaphore(%arg18 : memref<!tpu.dma_semaphore, #tpu.memory_space<semaphore_mem>>) src(%dma_wait3A_22 : memref<128x32xf32, #tpu.memory_space<hbm>>) dst(%arg14 : memref<128x32xf32, #tpu.memory_space<vmem>>)
      %dma_wait3A_23 = arith.constant 0 : i32
      %dma_wait3A_24 = arith.constant 0 : i32
      %dma_wait3A_25 = tpu.memref_slice %arg3[%dma_wait3A_23, %dma_wait3A_24] : memref<100000x32xf32, #tpu.memory_space<hbm>> -> memref<128x32xf32, #tpu.memory_space<hbm>>
      %dma_wait3A_26 = arith.constant 0 : i32
      %dma_wait3A_27 = arith.constant 0 : i32
      %dma_wait3A_28 = tpu.memref_slice %arg3[%dma_wait3A_26, %dma_wait3A_27] : memref<100000x32xf32, #tpu.memory_space<hbm>> -> memref<128x32xf32, #tpu.memory_space<hbm>>
      tpu.wait_dma2 semaphore(%arg19 : memref<!tpu.dma_semaphore, #tpu.memory_space<semaphore_mem>>) src(%dma_wait3A_28 : memref<128x32xf32, #tpu.memory_space<hbm>>) dst(%arg15 : memref<128x32xf32, #tpu.memory_space<vmem>>)
      %dma_wait3A_29 = arith.constant 0 : i32
      %dma_wait3A_30 = arith.constant 0 : i32
      %dma_wait3A_31 = tpu.memref_slice %arg4[%dma_wait3A_29, %dma_wait3A_30] : memref<1000000x50xf32, #tpu.memory_space<hbm>> -> memref<128x50xf32, #tpu.memory_space<hbm>>
      %dma_wait3A_32 = arith.constant 0 : i32
      %dma_wait3A_33 = arith.constant 0 : i32
      %dma_wait3A_34 = tpu.memref_slice %arg4[%dma_wait3A_32, %dma_wait3A_33] : memref<1000000x50xf32, #tpu.memory_space<hbm>> -> memref<128x50xf32, #tpu.memory_space<hbm>>
      tpu.wait_dma2 semaphore(%arg20 : memref<!tpu.dma_semaphore, #tpu.memory_space<semaphore_mem>>) src(%dma_wait3A_34 : memref<128x50xf32, #tpu.memory_space<hbm>>) dst(%arg16 : memref<128x50xf32, #tpu.memory_space<vmem>>)
      %dma_wait3A_35 = arith.constant 0 : i32
      %dma_wait3A_36 = arith.constant 0 : i32
      %dma_wait3A_37 = tpu.memref_slice %arg5[%dma_wait3A_35, %dma_wait3A_36] : memref<100000x50xf32, #tpu.memory_space<hbm>> -> memref<128x50xf32, #tpu.memory_space<hbm>>
      %dma_wait3A_38 = arith.constant 0 : i32
      %dma_wait3A_39 = arith.constant 0 : i32
      %dma_wait3A_40 = tpu.memref_slice %arg5[%dma_wait3A_38, %dma_wait3A_39] : memref<100000x50xf32, #tpu.memory_space<hbm>> -> memref<128x50xf32, #tpu.memory_space<hbm>>
      tpu.wait_dma2 semaphore(%arg21 : memref<!tpu.dma_semaphore, #tpu.memory_space<semaphore_mem>>) src(%dma_wait3A_40 : memref<128x50xf32, #tpu.memory_space<hbm>>) dst(%arg17 : memref<128x50xf32, #tpu.memory_space<vmem>>)
      %mul3A_41 = arith.constant 128 : i32
      %mul3A_42 = arith.muli %scan3A_9, %mul3A_41 : i32
      %add3A_43 = arith.addi %mul3A_2, %mul3A_42 : i32
      "tpu.region"() ({
        %run_scoped3A = tpu.sem_alloc : memref<!tpu.dma_semaphore, #tpu.memory_space<semaphore_mem>>
        %dma_start3A = arith.constant 0 : i32
        %dma_start3A_45 = tpu.memref_slice %arg8[%add3A_43, %dma_start3A] : memref<16384x32xf32, #tpu.memory_space<hbm>> -> memref<128x32xf32, #tpu.memory_space<hbm>>
        %dma_start3A_46 = arith.constant 0 : i32
        %dma_start3A_47 = tpu.memref_slice %arg8[%add3A_43, %dma_start3A_46] : memref<16384x32xf32, #tpu.memory_space<hbm>> -> memref<128x32xf32, #tpu.memory_space<hbm>>
        tpu.enqueue_dma source(%arg14 : memref<128x32xf32, #tpu.memory_space<vmem>>) target(%dma_start3A_47 : memref<128x32xf32, #tpu.memory_space<hbm>>) target_semaphore(%run_scoped3A : memref<!tpu.dma_semaphore, #tpu.memory_space<semaphore_mem>>)
        %dma_wait3A_48 = arith.constant 0 : i32
        %dma_wait3A_49 = tpu.memref_slice %arg8[%add3A_43, %dma_wait3A_48] : memref<16384x32xf32, #tpu.memory_space<hbm>> -> memref<128x32xf32, #tpu.memory_space<hbm>>
        %dma_wait3A_50 = arith.constant 0 : i32
        %dma_wait3A_51 = tpu.memref_slice %arg8[%add3A_43, %dma_wait3A_50] : memref<16384x32xf32, #tpu.memory_space<hbm>> -> memref<128x32xf32, #tpu.memory_space<hbm>>
        tpu.wait_dma2 semaphore(%run_scoped3A : memref<!tpu.dma_semaphore, #tpu.memory_space<semaphore_mem>>) src(%arg14 : memref<128x32xf32, #tpu.memory_space<vmem>>) dst(%dma_wait3A_51 : memref<128x32xf32, #tpu.memory_space<hbm>>)
        tpu.yield
      }) : () -> ()
      "tpu.region"() ({
        %run_scoped3A = tpu.sem_alloc : memref<!tpu.dma_semaphore, #tpu.memory_space<semaphore_mem>>
        %dma_start3A = arith.constant 0 : i32
        %dma_start3A_45 = tpu.memref_slice %arg9[%add3A_43, %dma_start3A] : memref<16384x32xf32, #tpu.memory_space<hbm>> -> memref<128x32xf32, #tpu.memory_space<hbm>>
        %dma_start3A_46 = arith.constant 0 : i32
        %dma_start3A_47 = tpu.memref_slice %arg9[%add3A_43, %dma_start3A_46] : memref<16384x32xf32, #tpu.memory_space<hbm>> -> memref<128x32xf32, #tpu.memory_space<hbm>>
        tpu.enqueue_dma source(%arg15 : memref<128x32xf32, #tpu.memory_space<vmem>>) target(%dma_start3A_47 : memref<128x32xf32, #tpu.memory_space<hbm>>) target_semaphore(%run_scoped3A : memref<!tpu.dma_semaphore, #tpu.memory_space<semaphore_mem>>)
        %dma_wait3A_48 = arith.constant 0 : i32
        %dma_wait3A_49 = tpu.memref_slice %arg9[%add3A_43, %dma_wait3A_48] : memref<16384x32xf32, #tpu.memory_space<hbm>> -> memref<128x32xf32, #tpu.memory_space<hbm>>
        %dma_wait3A_50 = arith.constant 0 : i32
        %dma_wait3A_51 = tpu.memref_slice %arg9[%add3A_43, %dma_wait3A_50] : memref<16384x32xf32, #tpu.memory_space<hbm>> -> memref<128x32xf32, #tpu.memory_space<hbm>>
        tpu.wait_dma2 semaphore(%run_scoped3A : memref<!tpu.dma_semaphore, #tpu.memory_space<semaphore_mem>>) src(%arg15 : memref<128x32xf32, #tpu.memory_space<vmem>>) dst(%dma_wait3A_51 : memref<128x32xf32, #tpu.memory_space<hbm>>)
        tpu.yield
      }) : () -> ()
      "tpu.region"() ({
        %run_scoped3A = tpu.sem_alloc : memref<!tpu.dma_semaphore, #tpu.memory_space<semaphore_mem>>
        %dma_start3A = arith.constant 0 : i32
        %dma_start3A_45 = tpu.memref_slice %arg10[%add3A_43, %dma_start3A] : memref<16384x50xf32, #tpu.memory_space<hbm>> -> memref<128x50xf32, #tpu.memory_space<hbm>>
        %dma_start3A_46 = arith.constant 0 : i32
        %dma_start3A_47 = tpu.memref_slice %arg10[%add3A_43, %dma_start3A_46] : memref<16384x50xf32, #tpu.memory_space<hbm>> -> memref<128x50xf32, #tpu.memory_space<hbm>>
        tpu.enqueue_dma source(%arg16 : memref<128x50xf32, #tpu.memory_space<vmem>>) target(%dma_start3A_47 : memref<128x50xf32, #tpu.memory_space<hbm>>) target_semaphore(%run_scoped3A : memref<!tpu.dma_semaphore, #tpu.memory_space<semaphore_mem>>)
        %dma_wait3A_48 = arith.constant 0 : i32
        %dma_wait3A_49 = tpu.memref_slice %arg10[%add3A_43, %dma_wait3A_48] : memref<16384x50xf32, #tpu.memory_space<hbm>> -> memref<128x50xf32, #tpu.memory_space<hbm>>
        %dma_wait3A_50 = arith.constant 0 : i32
        %dma_wait3A_51 = tpu.memref_slice %arg10[%add3A_43, %dma_wait3A_50] : memref<16384x50xf32, #tpu.memory_space<hbm>> -> memref<128x50xf32, #tpu.memory_space<hbm>>
        tpu.wait_dma2 semaphore(%run_scoped3A : memref<!tpu.dma_semaphore, #tpu.memory_space<semaphore_mem>>) src(%arg16 : memref<128x50xf32, #tpu.memory_space<vmem>>) dst(%dma_wait3A_51 : memref<128x50xf32, #tpu.memory_space<hbm>>)
        tpu.yield
      }) : () -> ()
      "tpu.region"() ({
        %run_scoped3A = tpu.sem_alloc : memref<!tpu.dma_semaphore, #tpu.memory_space<semaphore_mem>>
        %dma_start3A = arith.constant 0 : i32
        %dma_start3A_45 = tpu.memref_slice %arg11[%add3A_43, %dma_start3A] : memref<16384x50xf32, #tpu.memory_space<hbm>> -> memref<128x50xf32, #tpu.memory_space<hbm>>
        %dma_start3A_46 = arith.constant 0 : i32
        %dma_start3A_47 = tpu.memref_slice %arg11[%add3A_43, %dma_start3A_46] : memref<16384x50xf32, #tpu.memory_space<hbm>> -> memref<128x50xf32, #tpu.memory_space<hbm>>
        tpu.enqueue_dma source(%arg17 : memref<128x50xf32, #tpu.memory_space<vmem>>) target(%dma_start3A_47 : memref<128x50xf32, #tpu.memory_space<hbm>>) target_semaphore(%run_scoped3A : memref<!tpu.dma_semaphore, #tpu.memory_space<semaphore_mem>>)
        %dma_wait3A_48 = arith.constant 0 : i32
        %dma_wait3A_49 = tpu.memref_slice %arg11[%add3A_43, %dma_wait3A_48] : memref<16384x50xf32, #tpu.memory_space<hbm>> -> memref<128x50xf32, #tpu.memory_space<hbm>>
        %dma_wait3A_50 = arith.constant 0 : i32
        %dma_wait3A_51 = tpu.memref_slice %arg11[%add3A_43, %dma_wait3A_50] : memref<16384x50xf32, #tpu.memory_space<hbm>> -> memref<128x50xf32, #tpu.memory_space<hbm>>
        tpu.wait_dma2 semaphore(%run_scoped3A : memref<!tpu.dma_semaphore, #tpu.memory_space<semaphore_mem>>) src(%arg17 : memref<128x50xf32, #tpu.memory_space<vmem>>) dst(%dma_wait3A_51 : memref<128x50xf32, #tpu.memory_space<hbm>>)
        tpu.yield
      }) : () -> ()
      %scan3A_44 = arith.constant 0 : i32
      scf.yield %scan3A_44 : i32
    }
    %scan3A_8 = arith.constant 4 : i32
    return
  }
}

module attributes {stable_mosaic.version = 14 : i64} {
  func.func @_tc_body(%arg0: i32, %arg1: memref<2048x32xf32, #tpu.memory_space<vmem>>, %arg2: memref<2048x32xf32, #tpu.memory_space<vmem>>, %arg3: memref<2048x50xf32, #tpu.memory_space<vmem>>, %arg4: memref<2048x50xf32, #tpu.memory_space<vmem>>, %arg5: memref<2048x20xf32, #tpu.memory_space<vmem>>, %arg6: memref<2048x20xf32, #tpu.memory_space<vmem>>, %arg7: memref<20x32xf32, #tpu.memory_space<vmem>>, %arg8: memref<1x32xf32, #tpu.memory_space<vmem>>, %arg9: memref<32x30xf32, #tpu.memory_space<vmem>>, %arg10: memref<1x30xf32, #tpu.memory_space<vmem>>, %arg11: memref<2048xf32, #tpu.memory_space<vmem>>, %arg12: memref<2048xf32, #tpu.memory_space<vmem>>, %arg13: memref<1x1xf32, #tpu.memory_space<vmem>>) attributes {dimension_semantics = [#tpu.dimension_semantics<arbitrary>], iteration_bounds = array<i64: 8>, scalar_prefetch = 0 : i64, scratch_operands = 0 : i64, tpu.core_type = #tpu.core_type<tc>, window_params = [{transform_indices = @transform_0, window_bounds = array<i64: 2048, 32>}, {transform_indices = @transform_1, window_bounds = array<i64: 2048, 32>}, {transform_indices = @transform_2, window_bounds = array<i64: 2048, 50>}, {transform_indices = @transform_3, window_bounds = array<i64: 2048, 50>}, {transform_indices = @transform_4, window_bounds = array<i64: 2048, 20>}, {transform_indices = @transform_5, window_bounds = array<i64: 2048, 20>}, {pipeline_mode = #tpu.pipeline_mode<synchronous>, transform_indices = @transform_6, window_bounds = array<i64: 20, 32>}, {pipeline_mode = #tpu.pipeline_mode<synchronous>, transform_indices = @transform_7, window_bounds = array<i64: 1, 32>}, {pipeline_mode = #tpu.pipeline_mode<synchronous>, transform_indices = @transform_8, window_bounds = array<i64: 32, 30>}, {pipeline_mode = #tpu.pipeline_mode<synchronous>, transform_indices = @transform_9, window_bounds = array<i64: 1, 30>}, {transform_indices = @transform_10, window_bounds = array<i64: 2048>}, {transform_indices = @transform_11, window_bounds = array<i64: 2048>}, {pipeline_mode = #tpu.pipeline_mode<synchronous>, transform_indices = @transform_12, window_bounds = array<i64: 1, 1>}]} {
    %get3A = arith.constant 0 : index
    %get3A_0 = arith.constant 0 : index
    %get3A_1 = vector.load %arg1[%get3A, %get3A_0] : memref<2048x32xf32, #tpu.memory_space<vmem>>, vector<2048x32xf32>
    %get3A_2 = arith.constant 0 : index
    %get3A_3 = arith.constant 0 : index
    %get3A_4 = vector.load %arg2[%get3A_2, %get3A_3] : memref<2048x32xf32, #tpu.memory_space<vmem>>, vector<2048x32xf32>
    %mul3A = arith.mulf %get3A_1, %get3A_4 : vector<2048x32xf32>
    %reduce_sum3A = arith.constant dense<0.000000e+00> : vector<2048xf32>
    %reduce_sum3A_5 = vector.multi_reduction <add>, %mul3A, %reduce_sum3A [1] : vector<2048x32xf32> to vector<2048xf32>
    %logistic3A = arith.negf %reduce_sum3A_5 : vector<2048xf32>
    %logistic3A_6 = math.exp %logistic3A : vector<2048xf32>
    %logistic3A_7 = arith.constant 1.000000e+00 : f32
    %logistic3A_8 = vector.broadcast %logistic3A_7 : f32 to vector<2048xf32>
    %logistic3A_9 = arith.addf %logistic3A_8, %logistic3A_6 : vector<2048xf32>
    %logistic3A_10 = arith.divf %logistic3A_8, %logistic3A_9 : vector<2048xf32>
    %swap3A = arith.constant 0 : index
    %swap3A_11 = vector.load %arg11[%swap3A] : memref<2048xf32, #tpu.memory_space<vmem>>, vector<2048xf32>
    tpu.vector_store %arg11[%swap3A], %logistic3A_10 {strides = array<i32>} : memref<2048xf32, #tpu.memory_space<vmem>>, vector<2048xf32>,
    %get3A_12 = arith.constant 0 : index
    %get3A_13 = arith.constant 0 : index
    %get3A_14 = vector.load %arg3[%get3A_12, %get3A_13] : memref<2048x50xf32, #tpu.memory_space<vmem>>, vector<2048x50xf32>
    %get3A_15 = arith.constant 0 : index
    %get3A_16 = arith.constant 0 : index
    %get3A_17 = vector.load %arg4[%get3A_15, %get3A_16] : memref<2048x50xf32, #tpu.memory_space<vmem>>, vector<2048x50xf32>
    %get3A_18 = arith.constant 0 : index
    %get3A_19 = arith.constant 0 : index
    %get3A_20 = vector.load %arg5[%get3A_18, %get3A_19] : memref<2048x20xf32, #tpu.memory_space<vmem>>, vector<2048x20xf32>
    %get3A_21 = arith.constant 0 : index
    %get3A_22 = arith.constant 0 : index
    %get3A_23 = vector.load %arg6[%get3A_21, %get3A_22] : memref<2048x20xf32, #tpu.memory_space<vmem>>, vector<2048x20xf32>
    %slice3A = vector.extract_strided_slice %get3A_14 {offsets = [0, 0], sizes = [2048, 20], strides = [1, 1]} : vector<2048x50xf32> to vector<2048x20xf32>
    %mul3A_24 = arith.mulf %slice3A, %get3A_20 : vector<2048x20xf32>
    %reduce_sum3A_25 = arith.constant dense<0.000000e+00> : vector<2048xf32>
    %reduce_sum3A_26 = vector.multi_reduction <add>, %mul3A_24, %reduce_sum3A_25 [1] : vector<2048x20xf32> to vector<2048xf32>
    %slice3A_27 = vector.extract_strided_slice %get3A_14 {offsets = [0, 20], sizes = [2048, 30], strides = [1, 1]} : vector<2048x50xf32> to vector<2048x30xf32>
    %get3A_28 = arith.constant 0 : index
    %get3A_29 = arith.constant 0 : index
    %get3A_30 = vector.load %arg7[%get3A_28, %get3A_29] : memref<20x32xf32, #tpu.memory_space<vmem>>, vector<20x32xf32>
    %dot_general3A = arith.constant dense<0.000000e+00> : vector<2048x32xf32>
    %dot_general3A_31 = tpu.matmul %get3A_20, %get3A_30, %dot_general3A {dimension_numbers = #tpu.dot_dimension_numbers<[1], [0], [0], [1], [0, 0, 1, 1], [], []>, transpose_lhs_hint = false} : vector<2048x20xf32>, vector<20x32xf32>, vector<2048x32xf32> -> vector<2048x32xf32>
    %get3A_32 = arith.constant 0 : index
    %get3A_33 = arith.constant 0 : index
    %get3A_34 = vector.load %arg8[%get3A_32, %get3A_33] : memref<1x32xf32, #tpu.memory_space<vmem>>, vector<1x32xf32>
    %add3A = vector.broadcast %get3A_34 : vector<1x32xf32> to vector<2048x32xf32>
    %add3A_35 = arith.addf %dot_general3A_31, %add3A : vector<2048x32xf32>
    %max3A = arith.constant 0.000000e+00 : f32
    %max3A_36 = vector.broadcast %max3A : f32 to vector<2048x32xf32>
    %max3A_37 = arith.maximumf %add3A_35, %max3A_36 : vector<2048x32xf32>
    %get3A_38 = arith.constant 0 : index
    %get3A_39 = arith.constant 0 : index
    %get3A_40 = vector.load %arg9[%get3A_38, %get3A_39] : memref<32x30xf32, #tpu.memory_space<vmem>>, vector<32x30xf32>
    %dot_general3A_41 = arith.constant dense<0.000000e+00> : vector<2048x30xf32>
    %dot_general3A_42 = tpu.matmul %max3A_37, %get3A_40, %dot_general3A_41 {dimension_numbers = #tpu.dot_dimension_numbers<[1], [0], [0], [1], [0, 0, 1, 1], [], []>, transpose_lhs_hint = false} : vector<2048x32xf32>, vector<32x30xf32>, vector<2048x30xf32> -> vector<2048x30xf32>
    %get3A_43 = arith.constant 0 : index
    %get3A_44 = arith.constant 0 : index
    %get3A_45 = vector.load %arg10[%get3A_43, %get3A_44] : memref<1x30xf32, #tpu.memory_space<vmem>>, vector<1x30xf32>
    %add3A_46 = vector.broadcast %get3A_45 : vector<1x30xf32> to vector<2048x30xf32>
    %add3A_47 = arith.addf %dot_general3A_42, %add3A_46 : vector<2048x30xf32>
    %mul3A_48 = arith.mulf %slice3A_27, %add3A_47 : vector<2048x30xf32>
    %reduce_sum3A_49 = arith.constant dense<0.000000e+00> : vector<2048xf32>
    %reduce_sum3A_50 = vector.multi_reduction <add>, %mul3A_48, %reduce_sum3A_49 [1] : vector<2048x30xf32> to vector<2048xf32>
    %add3A_51 = arith.addf %reduce_sum3A_26, %reduce_sum3A_50 : vector<2048xf32>
    %slice3A_52 = vector.extract_strided_slice %get3A_17 {offsets = [0, 0], sizes = [2048, 20], strides = [1, 1]} : vector<2048x50xf32> to vector<2048x20xf32>
    %mul3A_53 = arith.mulf %slice3A_52, %get3A_23 : vector<2048x20xf32>
    %reduce_sum3A_54 = arith.constant dense<0.000000e+00> : vector<2048xf32>
    %reduce_sum3A_55 = vector.multi_reduction <add>, %mul3A_53, %reduce_sum3A_54 [1] : vector<2048x20xf32> to vector<2048xf32>
    %add3A_56 = arith.addf %add3A_51, %reduce_sum3A_55 : vector<2048xf32>
    %slice3A_57 = vector.extract_strided_slice %get3A_17 {offsets = [0, 20], sizes = [2048, 30], strides = [1, 1]} : vector<2048x50xf32> to vector<2048x30xf32>
    %get3A_58 = arith.constant 0 : index
    %get3A_59 = arith.constant 0 : index
    %get3A_60 = vector.load %arg7[%get3A_58, %get3A_59] : memref<20x32xf32, #tpu.memory_space<vmem>>, vector<20x32xf32>
    %dot_general3A_61 = arith.constant dense<0.000000e+00> : vector<2048x32xf32>
    %dot_general3A_62 = tpu.matmul %get3A_23, %get3A_60, %dot_general3A_61 {dimension_numbers = #tpu.dot_dimension_numbers<[1], [0], [0], [1], [0, 0, 1, 1], [], []>, transpose_lhs_hint = false} : vector<2048x20xf32>, vector<20x32xf32>, vector<2048x32xf32> -> vector<2048x32xf32>
    %get3A_63 = arith.constant 0 : index
    %get3A_64 = arith.constant 0 : index
    %get3A_65 = vector.load %arg8[%get3A_63, %get3A_64] : memref<1x32xf32, #tpu.memory_space<vmem>>, vector<1x32xf32>
    %add3A_66 = vector.broadcast %get3A_65 : vector<1x32xf32> to vector<2048x32xf32>
    %add3A_67 = arith.addf %dot_general3A_62, %add3A_66 : vector<2048x32xf32>
    %max3A_68 = arith.constant 0.000000e+00 : f32
    %max3A_69 = vector.broadcast %max3A_68 : f32 to vector<2048x32xf32>
    %max3A_70 = arith.maximumf %add3A_67, %max3A_69 : vector<2048x32xf32>
    %get3A_71 = arith.constant 0 : index
    %get3A_72 = arith.constant 0 : index
    %get3A_73 = vector.load %arg9[%get3A_71, %get3A_72] : memref<32x30xf32, #tpu.memory_space<vmem>>, vector<32x30xf32>
    %dot_general3A_74 = arith.constant dense<0.000000e+00> : vector<2048x30xf32>
    %dot_general3A_75 = tpu.matmul %max3A_70, %get3A_73, %dot_general3A_74 {dimension_numbers = #tpu.dot_dimension_numbers<[1], [0], [0], [1], [0, 0, 1, 1], [], []>, transpose_lhs_hint = false} : vector<2048x32xf32>, vector<32x30xf32>, vector<2048x30xf32> -> vector<2048x30xf32>
    %get3A_76 = arith.constant 0 : index
    %get3A_77 = arith.constant 0 : index
    %get3A_78 = vector.load %arg10[%get3A_76, %get3A_77] : memref<1x30xf32, #tpu.memory_space<vmem>>, vector<1x30xf32>
    %add3A_79 = vector.broadcast %get3A_78 : vector<1x30xf32> to vector<2048x30xf32>
    %add3A_80 = arith.addf %dot_general3A_75, %add3A_79 : vector<2048x30xf32>
    %mul3A_81 = arith.mulf %slice3A_57, %add3A_80 : vector<2048x30xf32>
    %reduce_sum3A_82 = arith.constant dense<0.000000e+00> : vector<2048xf32>
    %reduce_sum3A_83 = vector.multi_reduction <add>, %mul3A_81, %reduce_sum3A_82 [1] : vector<2048x30xf32> to vector<2048xf32>
    %add3A_84 = arith.addf %add3A_56, %reduce_sum3A_83 : vector<2048xf32>
    %logistic3A_85 = arith.negf %add3A_84 : vector<2048xf32>
    %logistic3A_86 = math.exp %logistic3A_85 : vector<2048xf32>
    %logistic3A_87 = arith.constant 1.000000e+00 : f32
    %logistic3A_88 = vector.broadcast %logistic3A_87 : f32 to vector<2048xf32>
    %logistic3A_89 = arith.addf %logistic3A_88, %logistic3A_86 : vector<2048xf32>
    %logistic3A_90 = arith.divf %logistic3A_88, %logistic3A_89 : vector<2048xf32>
    %swap3A_91 = arith.constant 0 : index
    %swap3A_92 = vector.load %arg12[%swap3A_91] : memref<2048xf32, #tpu.memory_space<vmem>>, vector<2048xf32>
    tpu.vector_store %arg12[%swap3A_91], %logistic3A_90 {strides = array<i32>} : memref<2048xf32, #tpu.memory_space<vmem>>, vector<2048xf32>,
    %mul3A_93 = arith.mulf %get3A_1, %get3A_1 : vector<2048x32xf32>
    %reduce_sum3A_94 = vector.shape_cast %mul3A_93 : vector<2048x32xf32> to vector<1x2048x32xf32>
    %reduce_sum3A_95 = arith.constant dense<0.000000e+00> : vector<1xf32>
    %reduce_sum3A_96 = vector.multi_reduction <add>, %reduce_sum3A_94, %reduce_sum3A_95 [1, 2] : vector<1x2048x32xf32> to vector<1xf32>
    %reduce_sum3A_97 = vector.shape_cast %reduce_sum3A_96 : vector<1xf32> to vector<1x1x1xf32>
    %reduce_sum3A_98 = vector.extract %reduce_sum3A_97[0, 0, 0] : f32 from vector<1x1x1xf32>
    %mul3A_99 = arith.mulf %get3A_4, %get3A_4 : vector<2048x32xf32>
    %reduce_sum3A_100 = vector.shape_cast %mul3A_99 : vector<2048x32xf32> to vector<1x2048x32xf32>
    %reduce_sum3A_101 = arith.constant dense<0.000000e+00> : vector<1xf32>
    %reduce_sum3A_102 = vector.multi_reduction <add>, %reduce_sum3A_100, %reduce_sum3A_101 [1, 2] : vector<1x2048x32xf32> to vector<1xf32>
    %reduce_sum3A_103 = vector.shape_cast %reduce_sum3A_102 : vector<1xf32> to vector<1x1x1xf32>
    %reduce_sum3A_104 = vector.extract %reduce_sum3A_103[0, 0, 0] : f32 from vector<1x1x1xf32>
    %add3A_105 = arith.addf %reduce_sum3A_98, %reduce_sum3A_104 : f32
    %mul3A_106 = arith.mulf %get3A_14, %get3A_14 : vector<2048x50xf32>
    %reduce_sum3A_107 = vector.shape_cast %mul3A_106 : vector<2048x50xf32> to vector<1x2048x50xf32>
    %reduce_sum3A_108 = arith.constant dense<0.000000e+00> : vector<1xf32>
    %reduce_sum3A_109 = vector.multi_reduction <add>, %reduce_sum3A_107, %reduce_sum3A_108 [1, 2] : vector<1x2048x50xf32> to vector<1xf32>
    %reduce_sum3A_110 = vector.shape_cast %reduce_sum3A_109 : vector<1xf32> to vector<1x1x1xf32>
    %reduce_sum3A_111 = vector.extract %reduce_sum3A_110[0, 0, 0] : f32 from vector<1x1x1xf32>
    %add3A_112 = arith.addf %add3A_105, %reduce_sum3A_111 : f32
    %mul3A_113 = arith.mulf %get3A_17, %get3A_17 : vector<2048x50xf32>
    %reduce_sum3A_114 = vector.shape_cast %mul3A_113 : vector<2048x50xf32> to vector<1x2048x50xf32>
    %reduce_sum3A_115 = arith.constant dense<0.000000e+00> : vector<1xf32>
    %reduce_sum3A_116 = vector.multi_reduction <add>, %reduce_sum3A_114, %reduce_sum3A_115 [1, 2] : vector<1x2048x50xf32> to vector<1xf32>
    %reduce_sum3A_117 = vector.shape_cast %reduce_sum3A_116 : vector<1xf32> to vector<1x1x1xf32>
    %reduce_sum3A_118 = vector.extract %reduce_sum3A_117[0, 0, 0] : f32 from vector<1x1x1xf32>
    %add3A_119 = arith.addf %add3A_112, %reduce_sum3A_118 : f32
    %mul3A_120 = arith.constant 3.05175781E-5 : f32
    %mul3A_121 = arith.mulf %add3A_119, %mul3A_120 : f32
    %eq3A = arith.constant 0 : i32
    %eq3A_122 = arith.cmpi eq, %arg0, %eq3A : i32
    %convert_element_type3A = arith.extui %eq3A_122 : i1 to i32
    %cond3A = arith.constant 0 : i32
    %cond3A_123 = arith.cmpi ne, %convert_element_type3A, %cond3A : i32
    scf.if %cond3A_123 {
      %broadcast_in_dim3A = arith.constant 0.000000e+00 : f32
      %broadcast_in_dim3A_132 = vector.broadcast %broadcast_in_dim3A : f32 to vector<1x1xf32>
      %swap3A_133 = arith.constant 0 : index
      %swap3A_134 = arith.constant 0 : index
      %swap3A_135 = vector.load %arg13[%swap3A_133, %swap3A_134] : memref<1x1xf32, #tpu.memory_space<vmem>>, vector<1x1xf32>
      tpu.vector_store %arg13[%swap3A_133, %swap3A_134], %broadcast_in_dim3A_132 {strides = array<i32>} : memref<1x1xf32, #tpu.memory_space<vmem>>, vector<1x1xf32>,
    } else {
    }
    %get3A_124 = arith.constant 0 : index
    %get3A_125 = arith.constant 0 : index
    %get3A_126 = vector.load %arg13[%get3A_124, %get3A_125] : memref<1x1xf32, #tpu.memory_space<vmem>>, vector<1x1xf32>
    %add3A_127 = vector.broadcast %mul3A_121 : f32 to vector<1x1xf32>
    %add3A_128 = arith.addf %get3A_126, %add3A_127 : vector<1x1xf32>
    %swap3A_129 = arith.constant 0 : index
    %swap3A_130 = arith.constant 0 : index
    %swap3A_131 = vector.load %arg13[%swap3A_129, %swap3A_130] : memref<1x1xf32, #tpu.memory_space<vmem>>, vector<1x1xf32>
    tpu.vector_store %arg13[%swap3A_129, %swap3A_130], %add3A_128 {strides = array<i32>} : memref<1x1xf32, #tpu.memory_space<vmem>>, vector<1x1xf32>,
    return
  }
  func.func @transform_0(%arg0: i32) -> (i32, i32) {
    %c0_i32 = arith.constant 0 : i32
    %c0_i32_0 = arith.constant 0 : i32
    return %arg0, %c0_i32 : i32, i32
  }
  func.func @transform_1(%arg0: i32) -> (i32, i32) {
    %c0_i32 = arith.constant 0 : i32
    %c0_i32_0 = arith.constant 0 : i32
    return %arg0, %c0_i32 : i32, i32
  }
  func.func @transform_2(%arg0: i32) -> (i32, i32) {
    %c0_i32 = arith.constant 0 : i32
    %c0_i32_0 = arith.constant 0 : i32
    return %arg0, %c0_i32 : i32, i32
  }
  func.func @transform_3(%arg0: i32) -> (i32, i32) {
    %c0_i32 = arith.constant 0 : i32
    %c0_i32_0 = arith.constant 0 : i32
    return %arg0, %c0_i32 : i32, i32
  }
  func.func @transform_4(%arg0: i32) -> (i32, i32) {
    %c0_i32 = arith.constant 0 : i32
    %c0_i32_0 = arith.constant 0 : i32
    return %arg0, %c0_i32 : i32, i32
  }
  func.func @transform_5(%arg0: i32) -> (i32, i32) {
    %c0_i32 = arith.constant 0 : i32
    %c0_i32_0 = arith.constant 0 : i32
    return %arg0, %c0_i32 : i32, i32
  }
  func.func @transform_6(%arg0: i32) -> (i32, i32) {
    %c0_i32 = arith.constant 0 : i32
    %c0_i32_0 = arith.constant 0 : i32
    %c0_i32_1 = arith.constant 0 : i32
    return %c0_i32, %c0_i32_0 : i32, i32
  }
  func.func @transform_7(%arg0: i32) -> (i32, i32) {
    %c0_i32 = arith.constant 0 : i32
    %c0_i32_0 = arith.constant 0 : i32
    %c0_i32_1 = arith.constant 0 : i32
    return %c0_i32, %c0_i32_0 : i32, i32
  }
  func.func @transform_8(%arg0: i32) -> (i32, i32) {
    %c0_i32 = arith.constant 0 : i32
    %c0_i32_0 = arith.constant 0 : i32
    %c0_i32_1 = arith.constant 0 : i32
    return %c0_i32, %c0_i32_0 : i32, i32
  }
  func.func @transform_9(%arg0: i32) -> (i32, i32) {
    %c0_i32 = arith.constant 0 : i32
    %c0_i32_0 = arith.constant 0 : i32
    %c0_i32_1 = arith.constant 0 : i32
    return %c0_i32, %c0_i32_0 : i32, i32
  }
  func.func @transform_10(%arg0: i32) -> i32 {
    %c0_i32 = arith.constant 0 : i32
    return %arg0 : i32
  }
  func.func @transform_11(%arg0: i32) -> i32 {
    %c0_i32 = arith.constant 0 : i32
    return %arg0 : i32
  }
  func.func @transform_12(%arg0: i32) -> (i32, i32) {
    %c0_i32 = arith.constant 0 : i32
    %c0_i32_0 = arith.constant 0 : i32
    %c0_i32_1 = arith.constant 0 : i32
    return %c0_i32, %c0_i32_0 : i32, i32
  }
}

</mosaic_0001>

<sc_bundles>
// kernel: kernel.4.cloned.1.call-start
scs
__scs_entry_jumppad:
0x0: {  	(pc) =	sbr.rel $0x88, $3  }
0x1: {  	(tag) =	ssettag $0x0;
	lr =	simm.s32 $0x1  }
0x2: {  	[smem:$0x3F95] =	sst lr;
	_ =	strace $0xD0000000  }
0x3: {  	_ = 	snop  }
0x4: {  	_ = 	snop  }
0x5: {  	_ = 	snop  }
0x6: {  	_ = 	snop  }
0x7: {  	_ = 	snop  }
__scs_overlays_trampoline_lowered:
0x8: {  	[smem:$0x3FA4] =	sst s0  }
0x9: {  	[smem:$0x3FA5] =	sst s1  }
0xa: {  	[smem:$0x3FA6] =	sst s2  }
0xb: {  	[smem:$0x3FA7] =	sst s3  }
0xc: {  	[smem:$0x3FA8] =	sst s4  }
0xd: {  	[smem:$0x3FA9] =	sst s5  }
0xe: {  	[smem:$0x3FAA] =	sst s6  }
0xf: {  	[smem:$0x3FAB] =	sst s7  }
0x10: {  	[smem:$0x3FAC] =	sst s8  }
0x11: {  	[smem:$0x3FAD] =	sst s9;
	s0 =	simm.s32 @!p0 $0x0  }
0x12: {  	s1 =	sld [smem:$0x3F93];
	s0 =	simm.s32 @p0 $0x1  }
0x13: {  	[smem:$0x3FAE] =	sst s0;
	s0 =	simm.s32 @!p1 $0x0  }
0x14: {  	s2 =	sld [smem:$0x3F92];
	s0 =	simm.s32 @p1 $0x1  }
0x15: {  	[smem:$0x3FAF] =	sst s0;
	s0 =	simm.s32 @!p2 $0x0  }
0x16: {  	s3 =	sld [smem:$0x3FDB];
	s0 =	simm.s32 @p2 $0x1  }
0x17: {  	s4 =	simm.s32 $0x1BF5;
	[smem:$0x3FB1] =	sst s0  }
0x18: {  	s0 =	sld [smem:$0x3F94];
	_ =	swait.ge [sflag:s4], $0x0  }
0x19: {  	s7 =	sld [smem:$0x3F95]  }
0x1a: {  	s8 =	sadd.s32 $0xFFFFE003, lr  }
0x1b: {  	s9 =	sadd.s32 $0xFFFFFEF7, lr;
	s5 =	simm.s32 $0xFFFFFFFF;
	p2 =	slt.u32 s8, $0xFFFFF086  }
0x1c: {  	p1 =	slt.u32 s9, $0xF7A;
	s5 =	simm.s32 @!p2 $0x0  }
0x1d: {  	s5 =	simm.s32 @p1 $0x1;
	p0 =	seq.s32 s7, s2  }
0x1e: {  	s7 =	smul.u32 @!p0 $0xF7A, s2;
	p2 =	seq.s32 @!p0 s5, $0x0  }
0x1f: {  	s9 =	smul.u32 $0xF7A, s1;
	s8 =	simm.s32 @!p0 $0x1BF5;
	p2 =	por !p2, p0  }
0x20: {  	[sflag:s8] =	ssyncset.s32 @!p0 $0xFFFFF086;
	s6 =	sadd.s32 @!p0 s3, s7;
	s7 =	simm.s32 @!p0 $0x108  }
0x21: {  	s3 =	sadd.s32 s3, s9;
	s6 =	sadd.s32 @!p0 $0x88, s6;
	s7 =	simm.s32 @p2 $0x1082  }
0x22: {  	[simem:s7], [sflag:s8] =	dma.local @!p0 [hbm:s6], $0xF7A  }
0x23: {  	s9 =	sor.u32 $0xD0000000, s2;
	s6 =	simm.s32 $0x108;
	_ =	swait.ge @!p0 [sflag:s8], $0x0  }
0x24: {  	s3 =	sadd.s32 $0x88, s3;
	s6 =	simm.s32 @!p1 $0x1082;
	[sflag:s4] =	ssyncset.s32 $0xFFFFF086  }
0x25: {  	[simem:s6], [sflag:s4] =	dma.local [hbm:s3], $0xF7A  }
0x26: {  	[smem:$0x3F95] =	sst s1;
	(tag) =	ssettag s2;
	_ =	strace s9  }
0x27: {  	s1 =	sld [smem:$0x3FA5]  }
0x28: {  	s2 =	sld [smem:$0x3FA6]  }
0x29: {  	s4 =	sld [smem:$0x3FA8]  }
0x2a: {  	p0 =	seq.s32 s5, $0x0;
	s5 =	sld [smem:$0x3FA9]  }
0x2b: {  	s6 =	sld [smem:$0x3FAA]  }
0x2c: {  	s7 =	sld [smem:$0x3FAB]  }
0x2d: {  	s3 =	simm.s32 $0x108;
	s8 =	sld [smem:$0x3FAC]  }
0x2e: {  	s3 =	simm.s32 @!p0 $0x1082;
	s9 =	sld [smem:$0x3FAD]  }
0x2f: {  	lr =	sadd.s32 s0, s3;
	s0 =	sld [smem:$0x3FA4]  }
0x30: {  	s3 =	sld [smem:$0x3FA7]  }
0x31: {  	[smem:$0x3FB0] =	sst s10  }
0x32: {  	s10 =	sld [smem:$0x3FAE];
	_ =	sdelay $0x3  }
0x33: {  	p0 =	seq.s32 s10, $0x1;
	s10 =	sld [smem:$0x3FB0];
	_ =	sdelay $0x3  }
0x34: {  	[smem:$0x3FB0] =	sst s10  }
0x35: {  	s10 =	sld [smem:$0x3FAF];
	_ =	sdelay $0x3  }
0x36: {  	p1 =	seq.s32 s10, $0x1;
	s10 =	sld [smem:$0x3FB0];
	_ =	sdelay $0x3  }
0x37: {  	[smem:$0x3FB0] =	sst s10  }
0x38: {  	s10 =	sld [smem:$0x3FB1]  }
0x39: {  	_ = 	snop;
	(pc) =	sbr.ind lr, $3  }
0x3a: {  	_ = 	snop  }
0x3b: {  	_ = 	snop  }
0x3c: {  	p2 =	seq.s32 s10, $0x1;
	s10 =	sld [smem:$0x3FB0]  }
0x3d: {  	_ =	shalt  }
0x3e: {  	_ =	shalt  }
0x3f: {  	_ =	shalt  }
0x40: {  	_ =	shalt  }
0x41: {  	_ =	shalt  }
0x42: {  	_ =	shalt  }
0x43: {  	_ =	shalt  }
0x44: {  	_ =	shalt  }
0x45: {  	_ =	shalt  }
0x46: {  	_ =	shalt  }
0x47: {  	_ =	shalt  }
0x48: {  	_ =	shalt  }
0x49: {  	_ =	shalt  }
0x4a: {  	_ =	shalt  }
0x4b: {  	_ =	shalt  }
0x4c: {  	_ =	shalt  }
0x4d: {  	_ =	shalt  }
0x4e: {  	_ =	shalt  }
0x4f: {  	_ =	shalt  }
0x50: {  	_ =	shalt  }
0x51: {  	_ =	shalt  }
0x52: {  	_ =	shalt  }
0x53: {  	_ =	shalt  }
0x54: {  	_ =	shalt  }
0x55: {  	_ =	shalt  }
0x56: {  	_ =	shalt  }
0x57: {  	_ =	shalt  }
0x58: {  	_ =	shalt  }
0x59: {  	_ =	shalt  }
0x5a: {  	_ =	shalt  }
0x5b: {  	_ =	shalt  }
0x5c: {  	_ =	shalt  }
0x5d: {  	_ =	shalt  }
0x5e: {  	_ =	shalt  }
0x5f: {  	_ =	shalt  }
0x60: {  	_ =	shalt  }
0x61: {  	_ =	shalt  }
0x62: {  	_ =	shalt  }
0x63: {  	_ =	shalt  }
0x64: {  	_ =	shalt  }
0x65: {  	_ =	shalt  }
0x66: {  	_ =	shalt  }
0x67: {  	_ =	shalt  }
0x68: {  	_ =	shalt  }
0x69: {  	_ =	shalt  }
0x6a: {  	_ =	shalt  }
0x6b: {  	_ =	shalt  }
0x6c: {  	_ =	shalt  }
0x6d: {  	_ =	shalt  }
0x6e: {  	_ =	shalt  }
0x6f: {  	_ =	shalt  }
0x70: {  	_ =	shalt  }
0x71: {  	_ =	shalt  }
0x72: {  	_ =	shalt  }
0x73: {  	_ =	shalt  }
0x74: {  	_ =	shalt  }
0x75: {  	_ =	shalt  }
0x76: {  	_ =	shalt  }
0x77: {  	_ =	shalt  }
0x78: {  	_ =	shalt  }
0x79: {  	_ =	shalt  }
0x7a: {  	_ =	shalt  }
0x7b: {  	_ =	shalt  }
0x7c: {  	_ =	shalt  }
0x7d: {  	_ =	shalt  }
0x7e: {  	_ =	shalt  }
0x7f: {  	_ =	shalt  }
0x80: {  	_ =	shalt  }
0x81: {  	_ =	shalt  }
0x82: {  	_ =	shalt  }
0x83: {  	_ =	shalt  }
0x84: {  	_ =	shalt  }
0x85: {  	_ =	shalt  }
0x86: {  	_ =	shalt  }
0x87: {  	_ =	shalt  }
.Lfunc_end0:
.L_simem_size_0:
called_computation_lowered:
.L_overlay_start_0:
0x88: {  	s2 =	sld [smem:$0x3FD9]  }
0x89: {  	s3 =	sld [smem:$0x3FFE];
	_ =	sdelay $0x1  }
0x8a: {  	s1 =	srdreg.scid  }
0x8b: {  	s0 =	sand.u32 $0x1, s1  }
0x8c: {  	s17 =	sshll.u32 s0, $0xA;
	s2 =	sadd.s32 s3, s2  }
0x8d: {  	s2 =	sadd.s32 s2, s17  }
0x8e: {  	[smem:$0x3FBC] =	sst s2  }
0x8f: {  	_ = 	snop  }
0x90: {  	s2 =	sld [smem:$0x3FC9]  }
0x91: {  	s18 =	sld [smem:$0x3FC8];
	(tm) =	ssettm $0x1  }
0x92: {  	s4 =	sld [smem:$0x3FFB];
	_ =	sdelay $0x3  }
0x93: {  	_ =	strace s4  }
0x94: {  	s4 =	sld [smem:$0x3FFC];
	_ =	sdelay $0x3  }
0x95: {  	_ =	strace s4  }
0x96: {  	s4 =	sld [smem:$0x3FFD];
	_ =	sdelay $0x3  }
0x97: {  	_ =	strace s4  }
0x98: {  	_ =	strace $0x8FFFFFFF  }
0x99: {  	s19 =	sld [smem:$0x3FDB];
	_ =	sdelay $0x1  }
0x9a: {  	s5 =	simm.s32 $_scs_section_size  }
0x9b: {  	s6 =	simm.s32 $_size__tile_overlayer_lowered;
	s7 =	simm.s32 $_tile_overlayer_lowered  }
0x9c: {  	s22 =	simm.s32 $0x1BFF;
	s21 =	sshll.u32 s7, $0x1;
	s4 =	sadd.s32 s5, s19  }
0x9d: {  	s8 =	simm.s32 $0x0;
	s20 =	sshll.u32 s6, $0x1;
	s6 =	sadd.s32 s21, s4  }
0x9e: {  	[timem:s8], [sflag:s22] =	dma.local [hbm:s6], s20  }
0x9f: {  	_ =	swait.ge [sflag:s22], s20  }
0xa0: {  	s5 =	ssub.s32 $0x0, s20;
	[sflag:s22] =	ssyncset.done $0x0  }
0xa1: {  	[sflag:s22] =	ssyncadd.s32 s5;
	_ =	sdelay $0x1  }
0xa2: {  	s23 =	simm.s32 $0x1B8B  }
0xa3: {  	_ =	swait.ge [sflag:s23], $0x1  }
0xa4: {  	[sflag:s23] =	ssyncset.done $0x0  }
0xa5: {  	s25 =	simm.s32 $0x1B8E;
	s24 =	sld [smem:$0x3FFE];
	[sflag:s23] =	ssyncadd.s32 $0xFFFFFFFF  }
0xa6: {  	s26 =	simm.s32 $execute0_lowered;
	[smem:$0x3FD2] =	sst s25  }
0xa7: {  	s6 =	sshll.u32 s26, $0x1;
	_ =	strace $0x80000046;
	[dreg:$0x1] =	wrdreg $0xFFFFFFFF  }
0xa8: {  	s28 =	simm.s32 $_size_execute0_lowered;
	s4 =	sadd.s32 s4, s6;
	[dreg:$0x0] =	wrdreg $0x0  }
0xa9: {  	s6 =	sshll.u32 s28, $0x1;
	[dreg:$0x2] =	wrdreg s4  }
0xaa: {  	[dreg:$0x3] =	wrdreg s6  }
0xab: {  	[dreg:$0x4] =	wrdreg $0xC0  }
0xac: {  	_ =	task [dreg:s8], $0x5FFFF  }
0xad: {  	[dreg:$0x1] =	wrdreg $0xFFFFFFFF  }
0xae: {  	[dreg:$0x0] =	wrdreg $0x60  }
0xaf: {  	[dreg:$0x2] =	wrdreg s24  }
0xb0: {  	[dreg:$0x3] =	wrdreg s2  }
0xb1: {  	[dreg:$0x4] =	wrdreg s18  }
0xb2: {  	[dreg:$0x5] =	wrdreg $0x9  }
0xb3: {  	_ =	task.clear_ibuf [dreg:s8], $0x6FFFF;
	_ =	strace $0x90000046  }
0xb4: {  	s29 =	simm.s32 $0x9;
	_ =	strace $0x80000048  }
0xb5: {  	_ =	swait.ge [sflag:s29], $0x1  }
0xb6: {  	[sflag:s29] =	ssyncadd.s32 $0xFFFFFFFF  }
0xb7: {  	_ =	strace $0x90000048  }
0xb8: {  	_ =	sfence  }
0xb9: {  	s30 =	sld [smem:$0x0];
	_ =	sdelay $0x2  }
0xba: {  	s31 =	sshll.u32 s1, $0xD;
	s1 =	sshrl.u32 s1, $0x2  }
0xbb: {  	s3 =	sand.u32 $0x4000, s31;
	s1 =	sadd.s32 s1, s30  }
0xbc: {  	s0 =	sor.u32 s3, s0;
	s1 =	sshll.u32 s1, $0x11  }
0xbd: {  	s0 =	sor.u32 s1, s0  }
0xbe: {  	s0 =	sadd.s32 $0x8F2B, s0  }
0xbf: {  	[sflag:s0] =	ssyncadd.remote.s32 $0x1  }
0xc0: {  	_ =	sfence.sel $0xFFFF  }
0xc1: {  	[dreg:$0x0] =	wrdreg $0xFFFFFFFF;
	(pc) =	sbr.abs _section_cstart, $3  }
0xc2: {  	[dreg:$0x1] =	wrdreg $0xFFFFFFFF  }
0xc3: {  	_ =	task.clear_ibuf [dreg:s8], $0x2FFFF;
	_ =	strace $0x9FFFFFFF  }
0xc4: {  	(tm) =	ssettm $0x7FFFFFFF  }
0xc5: {  	_ =	shalt  }
tec
execute0_lowered:
.L_overlay_start_1:
0x0: {  	(tag) =	ssettag $0x1  }
0x1: {  	s0 =	rddreg [dreg:$0x0]  }
0x2: {  	s4 =	rddreg [dreg:$0x1]  }
0x3: {  	s11 =	rddreg [dreg:$0x2];
	s1 =	simm.s32 $0x0;
	s8 =	srdreg.scid  }
0x4: {  	s9 =	stileid.u32;
	s15 =	simm.s32 $0x5;
	s16 =	simm.s32 $0x1  }
0x5: {  	s17 =	simm.s32 $0x2;
	s18 =	simm.s32 $0x3;
	s19 =	simm.s32 $0x4  }
0x6: {  	[smem:$0x7FF] =	sst s1;
	s2 =	sadd.s32 $0x1C00, s0;
	s3 =	sadd.s32 $0x1E86400, s0  }
0x7: {  	s5 =	sadd.s32 $0xF44000, s0;
	s6 =	sadd.s32 $0x200CE00, s0;
	s10 =	sand.u32 $0x1, s8  }
0x8: {  	s7 =	sadd.s32 $0x2193800, s0;
	s12 =	sshll.u32 s9, $0xA;
	s13 =	sshll.u32 s10, $0x9  }
0x9: {  	s8 =	sadd.s32 $0x21D3800, s0;
	s9 =	sadd.s32 $0x2213800, s0;
	s12 =	sor.u32 s13, s12  }
0xa: {  	_ =	strace $0x80000047;
	s14 =	ssub.s32 $0x2, s10;
	s13 =	sshrl.u32 s12, $0x3  }
0xb: {  	s10 =	sadd.s32 $0x2253800, s0;
	s30 =	sshrl.u32 s14, $0x1;
	s4 =	sadd.s32 s4, s13  }
0xc: {  	s0 =	ssub.s32 s14, s30;
	s31 =	sadd.s32 s11, s13;
	[dreg:$0x4] =	wrdreg s4  }
0xd: {  	s23 =	simm.s32 $0xC400;
	s0 =	smax.u32 s0, $0x1;
	[dreg:$0x5] =	wrdreg s31  }
0xe: {  	s13 =	sshll.u32 s12, $0x4;
	[dreg:$0x6] =	wrdreg s0;
	s4 =	simm.s32 $0x0  }
.LBB2_1:
0xf: {  	[dreg:$0x7] =	wrdreg s4  }
0x10: {  	s0 =	rddreg [dreg:$0x4]  }
0x11: {  	[tilespmem:s1], [sflag:$0x5] =	stream.linear.gather [hbm4b:s0+s1], $0x200, $0x38;
	[tilespmem:$0x10400] =	vst v63  }
0x12: {  	_ =	swait.ge [sflag:s15], $0x200  }
0x13: {  	[sflag:s15] =	ssyncset.done $0x0  }
0x14: {  	s25 =	simm.s32 $0x200;
	s31 =	rddreg [dreg:$0x5];
	[sflag:s15] =	ssyncadd.s32 $0xFFFFFE00  }
0x15: {  	[tilespmem:s25], [sflag:$0x5] =	stream.linear.gather [hbm4b:s31+s1], $0x200, $0x38;
	[tilespmem:$0x10400] =	vst v63  }
0x16: {  	_ =	swait.ge [sflag:s15], $0x200  }
0x17: {  	[sflag:s15] =	ssyncset.done $0x0  }
0x18: {  	s26 =	simm.s32 $0x0;
	s28 =	simm.s32 $0x0;
	[sflag:s15] =	ssyncadd.s32 $0xFFFFFE00  }
.LBB2_2:
0x19: {  	v0 =	vld [tilespmem:s25+$0x0]  }
0x1a: {  	v1 =	vld [tilespmem:s26+$0x0];
	_ =	sdelay $0x3  }
0x1b: {  	v0 =	vshll.u32 v0, $0x4  }
0x1c: {  	v1 =	vshll.u32 v1, $0x4;
	(v2sf) =	vpush v0, $0x0  }
0x1d: {  	(v2sf) =	vpush v1, $0x0;
	_ =	sdelay $0x5  }
0x1e: {  	(v2sf) =	vpush v1, $0x1;
	_ =	sdelay $0x1  }
0x1f: {  	(v2sf) =	vpush v0, $0x1;
	_ =	sdelay $0x3  }
0x20: {  	(v2sf) =	vpush v1, $0x2;
	_ =	sdelay $0x1  }
0x21: {  	s0 =	spop (v2sf)  }
0x22: {  	s4 =	spop (v2sf)  }
0x23: {  	s11 =	simm.s32 $0x400;
	s20 =	simm.s32 $0x4400;
	(v2sf) =	vpush v0, $0x2;
	s4 =	sand.u32 $0x1FFFFFF0, s4  }
0x24: {  	s21 =	simm.s32 $0x8400;
	s0 =	sand.u32 $0x1FFFFFF0, s0;
	s12 =	sadd.s32 s2, s4  }
0x25: {  	[tilespmem:s11], [sflag:$0x1] =	stream.linear.gather [hbm4b:s12+s1], $0x80, $0x38;
	[tilespmem:$0x10400] =	vst v63  }
0x26: {  	s24 =	simm.s32 $0xC400;
	s31 =	smov.u32 s26;
	s29 =	sadd.s32 s3, s0  }
0x27: {  	(v2sf) =	vpush v1, $0x3;
	[tilespmem:s20], [sflag:$0x2] =	stream.linear.gather [hbm4b:s29+s1], $0x80, $0x38;
	[tilespmem:$0x10400] =	vst v63  }
0x28: {  	s14 =	spop (v2sf);
	s0 =	sadd.s32 s6, s0;
	s4 =	sadd.s32 s5, s4  }
0x29: {  	[tilespmem:s21], [sflag:$0x3] =	stream.linear.gather [hbm4b:s4+s1], $0x80, $0x38;
	[tilespmem:$0x10400] =	vst v63  }
0x2a: {  	s22 =	spop (v2sf);
	s11 =	sand.u32 $0x1FFFFFF0, s14;
	s12 =	simm.s32 $0x480  }
0x2b: {  	(v2sf) =	vpush v0, $0x3;
	[tilespmem:s24], [sflag:$0x4] =	stream.linear.gather [hbm4b:s0+s1], $0x80, $0x38;
	[tilespmem:$0x10400] =	vst v63  }
0x2c: {  	s14 =	sadd.s32 s2, s11;
	s11 =	sadd.s32 s5, s11;
	s0 =	sand.u32 $0x1FFFFFF0, s22  }
0x2d: {  	[tilespmem:s12], [sflag:$0x1] =	stream.linear.gather [hbm4b:s14+s1], $0x80, $0x38;
	[tilespmem:$0x10400] =	vst v63  }
0x2e: {  	s20 =	spop (v2sf);
	s21 =	simm.s32 $0x4480;
	s29 =	sadd.s32 s3, s0  }
0x2f: {  	(v2sf) =	vpush v1, $0x4;
	[tilespmem:s21], [sflag:$0x2] =	stream.linear.gather [hbm4b:s29+s1], $0x80, $0x38;
	[tilespmem:$0x10400] =	vst v63  }
0x30: {  	s4 =	sand.u32 $0x1FFFFFF0, s20;
	s20 =	simm.s32 $0x500;
	s22 =	simm.s32 $0x8480  }
0x31: {  	[tilespmem:s22], [sflag:$0x3] =	stream.linear.gather [hbm4b:s11+s1], $0x80, $0x38;
	[tilespmem:$0x10400] =	vst v63  }
0x32: {  	s0 =	sadd.s32 s6, s0;
	s14 =	simm.s32 $0xC480;
	s24 =	spop (v2sf)  }
0x33: {  	(v2sf) =	vpush v0, $0x4;
	[tilespmem:s14], [sflag:$0x4] =	stream.linear.gather [hbm4b:s0+s1], $0x80, $0x38;
	[tilespmem:$0x10400] =	vst v63  }
0x34: {  	s12 =	simm.s32 $0x600;
	s21 =	sadd.s32 s2, s4;
	s0 =	sand.u32 $0x1FFFFFF0, s24  }
0x35: {  	[tilespmem:s20], [sflag:$0x1] =	stream.linear.gather [hbm4b:s21+s1], $0x80, $0x38;
	[tilespmem:$0x10400] =	vst v63  }
0x36: {  	s22 =	spop (v2sf);
	s24 =	simm.s32 $0x4500;
	s29 =	sadd.s32 s3, s0  }
0x37: {  	(v2sf) =	vpush v1, $0x5;
	[tilespmem:s24], [sflag:$0x2] =	stream.linear.gather [hbm4b:s29+s1], $0x80, $0x38;
	[tilespmem:$0x10400] =	vst v63  }
0x38: {  	s4 =	sadd.s32 s5, s4;
	s11 =	sand.u32 $0x1FFFFFF0, s22;
	s14 =	simm.s32 $0x8500  }
0x39: {  	[tilespmem:s14], [sflag:$0x3] =	stream.linear.gather [hbm4b:s4+s1], $0x80, $0x38;
	[tilespmem:$0x10400] =	vst v63  }
0x3a: {  	s0 =	sadd.s32 s6, s0;
	s20 =	spop (v2sf);
	s21 =	simm.s32 $0xC500  }
0x3b: {  	(v2sf) =	vpush v0, $0x5;
	[tilespmem:s21], [sflag:$0x4] =	stream.linear.gather [hbm4b:s0+s1], $0x80, $0x38;
	[tilespmem:$0x10400] =	vst v63  }
0x3c: {  	s22 =	simm.s32 $0x580;
	s24 =	sadd.s32 s2, s11;
	s0 =	sand.u32 $0x1FFFFFF0, s20  }
0x3d: {  	[tilespmem:s22], [sflag:$0x1] =	stream.linear.gather [hbm4b:s24+s1], $0x80, $0x38;
	[tilespmem:$0x10400] =	vst v63  }
0x3e: {  	s14 =	spop (v2sf);
	s20 =	simm.s32 $0x4580;
	s29 =	sadd.s32 s3, s0  }
0x3f: {  	(v2sf) =	vpush v1, $0x6;
	[tilespmem:s20], [sflag:$0x2] =	stream.linear.gather [hbm4b:s29+s1], $0x80, $0x38;
	[tilespmem:$0x10400] =	vst v63  }
0x40: {  	s11 =	sadd.s32 s5, s11;
	s4 =	sand.u32 $0x1FFFFFF0, s14;
	s21 =	simm.s32 $0x8580  }
0x41: {  	[tilespmem:s21], [sflag:$0x3] =	stream.linear.gather [hbm4b:s11+s1], $0x80, $0x38;
	[tilespmem:$0x10400] =	vst v63  }
0x42: {  	s0 =	sadd.s32 s6, s0;
	s24 =	simm.s32 $0xC580;
	s22 =	spop (v2sf)  }
0x43: {  	(v2sf) =	vpush v0, $0x6;
	[tilespmem:s24], [sflag:$0x4] =	stream.linear.gather [hbm4b:s0+s1], $0x80, $0x38;
	[tilespmem:$0x10400] =	vst v63  }
0x44: {  	s14 =	sadd.s32 s2, s4;
	s4 =	sadd.s32 s5, s4;
	s0 =	sand.u32 $0x1FFFFFF0, s22  }
0x45: {  	[tilespmem:s12], [sflag:$0x1] =	stream.linear.gather [hbm4b:s14+s1], $0x80, $0x38;
	[tilespmem:$0x10400] =	vst v63  }
0x46: {  	s20 =	spop (v2sf);
	s21 =	simm.s32 $0x4600;
	s29 =	sadd.s32 s3, s0  }
0x47: {  	(v2sf) =	vpush v1, $0x7;
	[tilespmem:s21], [sflag:$0x2] =	stream.linear.gather [hbm4b:s29+s1], $0x80, $0x38;
	[tilespmem:$0x10400] =	vst v63  }
0x48: {  	s11 =	sand.u32 $0x1FFFFFF0, s20;
	s20 =	simm.s32 $0x680;
	s22 =	simm.s32 $0x8600  }
0x49: {  	[tilespmem:s22], [sflag:$0x3] =	stream.linear.gather [hbm4b:s4+s1], $0x80, $0x38;
	[tilespmem:$0x10400] =	vst v63  }
0x4a: {  	s24 =	spop (v2sf);
	s0 =	sadd.s32 s6, s0;
	s14 =	simm.s32 $0xC600  }
0x4b: {  	(v2sf) =	vpush v0, $0x7;
	[tilespmem:s14], [sflag:$0x4] =	stream.linear.gather [hbm4b:s0+s1], $0x80, $0x38;
	[tilespmem:$0x10400] =	vst v63  }
0x4c: {  	s12 =	simm.s32 $0x780;
	s21 =	sadd.s32 s2, s11;
	s0 =	sand.u32 $0x1FFFFFF0, s24  }
0x4d: {  	[tilespmem:s20], [sflag:$0x1] =	stream.linear.gather [hbm4b:s21+s1], $0x80, $0x38;
	[tilespmem:$0x10400] =	vst v63  }
0x4e: {  	s22 =	spop (v2sf);
	s24 =	simm.s32 $0x4680;
	s29 =	sadd.s32 s3, s0  }
0x4f: {  	(v2sf) =	vpush v1, $0x8;
	[tilespmem:s24], [sflag:$0x2] =	stream.linear.gather [hbm4b:s29+s1], $0x80, $0x38;
	[tilespmem:$0x10400] =	vst v63  }
0x50: {  	s11 =	sadd.s32 s5, s11;
	s4 =	sand.u32 $0x1FFFFFF0, s22;
	s14 =	simm.s32 $0x8680  }
0x51: {  	[tilespmem:s14], [sflag:$0x3] =	stream.linear.gather [hbm4b:s11+s1], $0x80, $0x38;
	[tilespmem:$0x10400] =	vst v63  }
0x52: {  	s0 =	sadd.s32 s6, s0;
	s21 =	simm.s32 $0xC680;
	s20 =	spop (v2sf)  }
0x53: {  	(v2sf) =	vpush v0, $0x8;
	[tilespmem:s21], [sflag:$0x4] =	stream.linear.gather [hbm4b:s0+s1], $0x80, $0x38;
	[tilespmem:$0x10400] =	vst v63  }
0x54: {  	s22 =	simm.s32 $0x700;
	s24 =	sadd.s32 s2, s4;
	s0 =	sand.u32 $0x1FFFFFF0, s20  }
0x55: {  	[tilespmem:s22], [sflag:$0x1] =	stream.linear.gather [hbm4b:s24+s1], $0x80, $0x38;
	[tilespmem:$0x10400] =	vst v63  }
0x56: {  	s14 =	spop (v2sf);
	s20 =	simm.s32 $0x4700;
	s29 =	sadd.s32 s3, s0  }
0x57: {  	(v2sf) =	vpush v1, $0x9;
	[tilespmem:s20], [sflag:$0x2] =	stream.linear.gather [hbm4b:s29+s1], $0x80, $0x38;
	[tilespmem:$0x10400] =	vst v63  }
0x58: {  	s4 =	sadd.s32 s5, s4;
	s11 =	sand.u32 $0x1FFFFFF0, s14;
	s21 =	simm.s32 $0x8700  }
0x59: {  	[tilespmem:s21], [sflag:$0x3] =	stream.linear.gather [hbm4b:s4+s1], $0x80, $0x38;
	[tilespmem:$0x10400] =	vst v63  }
0x5a: {  	s0 =	sadd.s32 s6, s0;
	s22 =	spop (v2sf);
	s24 =	simm.s32 $0xC700  }
0x5b: {  	(v2sf) =	vpush v0, $0x9;
	[tilespmem:s24], [sflag:$0x4] =	stream.linear.gather [hbm4b:s0+s1], $0x80, $0x38;
	[tilespmem:$0x10400] =	vst v63  }
0x5c: {  	s14 =	sadd.s32 s2, s11;
	s11 =	sadd.s32 s5, s11;
	s0 =	sand.u32 $0x1FFFFFF0, s22  }
0x5d: {  	[tilespmem:s12], [sflag:$0x1] =	stream.linear.gather [hbm4b:s14+s1], $0x80, $0x38;
	[tilespmem:$0x10400] =	vst v63  }
0x5e: {  	s20 =	spop (v2sf);
	s21 =	simm.s32 $0x4780;
	s29 =	sadd.s32 s3, s0  }
0x5f: {  	(v2sf) =	vpush v1, $0xA;
	[tilespmem:s21], [sflag:$0x2] =	stream.linear.gather [hbm4b:s29+s1], $0x80, $0x38;
	[tilespmem:$0x10400] =	vst v63  }
0x60: {  	s4 =	sand.u32 $0x1FFFFFF0, s20;
	s20 =	simm.s32 $0x800;
	s22 =	simm.s32 $0x8780  }
0x61: {  	[tilespmem:s22], [sflag:$0x3] =	stream.linear.gather [hbm4b:s11+s1], $0x80, $0x38;
	[tilespmem:$0x10400] =	vst v63  }
0x62: {  	s0 =	sadd.s32 s6, s0;
	s24 =	spop (v2sf);
	s14 =	simm.s32 $0xC780  }
0x63: {  	(v2sf) =	vpush v0, $0xA;
	[tilespmem:s14], [sflag:$0x4] =	stream.linear.gather [hbm4b:s0+s1], $0x80, $0x38;
	[tilespmem:$0x10400] =	vst v63  }
0x64: {  	s12 =	simm.s32 $0x900;
	s21 =	sadd.s32 s2, s4;
	s0 =	sand.u32 $0x1FFFFFF0, s24  }
0x65: {  	[tilespmem:s20], [sflag:$0x1] =	stream.linear.gather [hbm4b:s21+s1], $0x80, $0x38;
	[tilespmem:$0x10400] =	vst v63  }
0x66: {  	s22 =	spop (v2sf);
	s24 =	simm.s32 $0x4800;
	s29 =	sadd.s32 s3, s0  }
0x67: {  	(v2sf) =	vpush v1, $0xB;
	[tilespmem:s24], [sflag:$0x2] =	stream.linear.gather [hbm4b:s29+s1], $0x80, $0x38;
	[tilespmem:$0x10400] =	vst v63  }
0x68: {  	s4 =	sadd.s32 s5, s4;
	s11 =	sand.u32 $0x1FFFFFF0, s22;
	s14 =	simm.s32 $0x8800  }
0x69: {  	[tilespmem:s14], [sflag:$0x3] =	stream.linear.gather [hbm4b:s4+s1], $0x80, $0x38;
	[tilespmem:$0x10400] =	vst v63  }
0x6a: {  	s0 =	sadd.s32 s6, s0;
	s20 =	spop (v2sf);
	s21 =	simm.s32 $0xC800  }
0x6b: {  	(v2sf) =	vpush v0, $0xB;
	[tilespmem:s21], [sflag:$0x4] =	stream.linear.gather [hbm4b:s0+s1], $0x80, $0x38;
	[tilespmem:$0x10400] =	vst v63  }
0x6c: {  	s22 =	simm.s32 $0x880;
	s24 =	sadd.s32 s2, s11;
	s4 =	sand.u32 $0x1FFFFFF0, s20  }
0x6d: {  	[tilespmem:s22], [sflag:$0x1] =	stream.linear.gather [hbm4b:s24+s1], $0x80, $0x38;
	[tilespmem:$0x10400] =	vst v63  }
0x6e: {  	s14 =	spop (v2sf);
	s20 =	simm.s32 $0x4880;
	s29 =	sadd.s32 s3, s4  }
0x6f: {  	(v2sf) =	vpush v1, $0xC;
	[tilespmem:s20], [sflag:$0x2] =	stream.linear.gather [hbm4b:s29+s1], $0x80, $0x38;
	[tilespmem:$0x10400] =	vst v63  }
0x70: {  	s11 =	sadd.s32 s5, s11;
	s4 =	sadd.s32 s6, s4;
	s21 =	simm.s32 $0x8880  }
0x71: {  	[tilespmem:s21], [sflag:$0x3] =	stream.linear.gather [hbm4b:s11+s1], $0x80, $0x38;
	[tilespmem:$0x10400] =	vst v63  }
0x72: {  	s0 =	sand.u32 $0x1FFFFFF0, s14;
	s22 =	spop (v2sf);
	s24 =	simm.s32 $0xC880  }
0x73: {  	(v2sf) =	vpush v0, $0xC;
	[tilespmem:s24], [sflag:$0x4] =	stream.linear.gather [hbm4b:s4+s1], $0x80, $0x38;
	[tilespmem:$0x10400] =	vst v63  }
0x74: {  	s14 =	sadd.s32 s2, s0;
	s0 =	sadd.s32 s5, s0;
	s4 =	sand.u32 $0x1FFFFFF0, s22  }
0x75: {  	[tilespmem:s12], [sflag:$0x1] =	stream.linear.gather [hbm4b:s14+s1], $0x80, $0x38;
	[tilespmem:$0x10400] =	vst v63  }
0x76: {  	s20 =	spop (v2sf);
	s21 =	simm.s32 $0x4900;
	s29 =	sadd.s32 s3, s4  }
0x77: {  	(v2sf) =	vpush v1, $0xD;
	[tilespmem:s21], [sflag:$0x2] =	stream.linear.gather [hbm4b:s29+s1], $0x80, $0x38;
	[tilespmem:$0x10400] =	vst v63  }
0x78: {  	s11 =	sand.u32 $0x1FFFFFF0, s20;
	s20 =	simm.s32 $0x980;
	s22 =	simm.s32 $0x8900  }
0x79: {  	[tilespmem:s22], [sflag:$0x3] =	stream.linear.gather [hbm4b:s0+s1], $0x80, $0x38;
	[tilespmem:$0x10400] =	vst v63  }
0x7a: {  	s24 =	spop (v2sf);
	s4 =	sadd.s32 s6, s4;
	s14 =	simm.s32 $0xC900  }
0x7b: {  	(v2sf) =	vpush v0, $0xD;
	[tilespmem:s14], [sflag:$0x4] =	stream.linear.gather [hbm4b:s4+s1], $0x80, $0x38;
	[tilespmem:$0x10400] =	vst v63  }
0x7c: {  	s12 =	simm.s32 $0xA80;
	s21 =	sadd.s32 s2, s11;
	s0 =	sand.u32 $0x1FFFFFF0, s24  }
0x7d: {  	[tilespmem:s20], [sflag:$0x1] =	stream.linear.gather [hbm4b:s21+s1], $0x80, $0x38;
	[tilespmem:$0x10400] =	vst v63  }
0x7e: {  	s22 =	spop (v2sf);
	s24 =	simm.s32 $0x4980;
	s29 =	sadd.s32 s3, s0  }
0x7f: {  	(v2sf) =	vpush v1, $0xE;
	[tilespmem:s24], [sflag:$0x2] =	stream.linear.gather [hbm4b:s29+s1], $0x80, $0x38;
	[tilespmem:$0x10400] =	vst v63  }
0x80: {  	s11 =	sadd.s32 s5, s11;
	s0 =	sadd.s32 s6, s0;
	s14 =	simm.s32 $0x8980  }
0x81: {  	[tilespmem:s14], [sflag:$0x3] =	stream.linear.gather [hbm4b:s11+s1], $0x80, $0x38;
	[tilespmem:$0x10400] =	vst v63  }
0x82: {  	s4 =	sand.u32 $0x1FFFFFF0, s22;
	s20 =	spop (v2sf);
	s21 =	simm.s32 $0xC980  }
0x83: {  	(v2sf) =	vpush v0, $0xE;
	[tilespmem:s21], [sflag:$0x4] =	stream.linear.gather [hbm4b:s0+s1], $0x80, $0x38;
	[tilespmem:$0x10400] =	vst v63  }
0x84: {  	s22 =	simm.s32 $0xA00;
	s24 =	sadd.s32 s2, s4;
	s11 =	sand.u32 $0x1FFFFFF0, s20  }
0x85: {  	[tilespmem:s22], [sflag:$0x1] =	stream.linear.gather [hbm4b:s24+s1], $0x80, $0x38;
	[tilespmem:$0x10400] =	vst v63  }
0x86: {  	s14 =	spop (v2sf);
	s20 =	simm.s32 $0x4A00;
	s29 =	sadd.s32 s3, s11  }
0x87: {  	(v2sf) =	vpush v1, $0xF;
	[tilespmem:s20], [sflag:$0x2] =	stream.linear.gather [hbm4b:s29+s1], $0x80, $0x38;
	[tilespmem:$0x10400] =	vst v63  }
0x88: {  	s4 =	sadd.s32 s5, s4;
	s11 =	sadd.s32 s6, s11;
	s21 =	simm.s32 $0x8A00  }
0x89: {  	[tilespmem:s21], [sflag:$0x3] =	stream.linear.gather [hbm4b:s4+s1], $0x80, $0x38;
	[tilespmem:$0x10400] =	vst v63  }
0x8a: {  	s0 =	sand.u32 $0x1FFFFFF0, s14;
	s22 =	spop (v2sf);
	s24 =	simm.s32 $0xCA00  }
0x8b: {  	(v2sf) =	vpush v0, $0xF;
	[tilespmem:s24], [sflag:$0x4] =	stream.linear.gather [hbm4b:s11+s1], $0x80, $0x38;
	[tilespmem:$0x10400] =	vst v63  }
0x8c: {  	s14 =	sadd.s32 s2, s0;
	s0 =	sadd.s32 s5, s0;
	s4 =	sand.u32 $0x1FFFFFF0, s22  }
0x8d: {  	[tilespmem:s12], [sflag:$0x1] =	stream.linear.gather [hbm4b:s14+s1], $0x80, $0x38;
	[tilespmem:$0x10400] =	vst v63  }
0x8e: {  	s20 =	spop (v2sf);
	s21 =	simm.s32 $0x4A80;
	s29 =	sadd.s32 s3, s4  }
0x8f: {  	[tilespmem:s21], [sflag:$0x2] =	stream.linear.gather [hbm4b:s29+s1], $0x80, $0x38;
	[tilespmem:$0x10400] =	vst v63  }
0x90: {  	s22 =	simm.s32 $0x8A80;
	s4 =	sadd.s32 s6, s4;
	s11 =	sand.u32 $0x1FFFFFF0, s20  }
0x91: {  	[tilespmem:s22], [sflag:$0x3] =	stream.linear.gather [hbm4b:s0+s1], $0x80, $0x38;
	[tilespmem:$0x10400] =	vst v63  }
0x92: {  	s20 =	simm.s32 $0xB00;
	s24 =	spop (v2sf);
	s14 =	simm.s32 $0xCA80  }
0x93: {  	[tilespmem:s14], [sflag:$0x4] =	stream.linear.gather [hbm4b:s4+s1], $0x80, $0x38;
	[tilespmem:$0x10400] =	vst v63  }
0x94: {  	s12 =	simm.s32 $0x8B00;
	s21 =	sadd.s32 s2, s11;
	s0 =	sand.u32 $0x1FFFFFF0, s24  }
0x95: {  	[tilespmem:s20], [sflag:$0x1] =	stream.linear.gather [hbm4b:s21+s1], $0x80, $0x38;
	[tilespmem:$0x10400] =	vst v63  }
0x96: {  	s22 =	spop (v2sf);
	s24 =	simm.s32 $0x4B00;
	s29 =	sadd.s32 s3, s0  }
0x97: {  	[tilespmem:s24], [sflag:$0x2] =	stream.linear.gather [hbm4b:s29+s1], $0x80, $0x38;
	[tilespmem:$0x10400] =	vst v63  }
0x98: {  	s11 =	sadd.s32 s5, s11;
	s30 =	sand.u32 $0x1FFFFFF0, s22;
	s0 =	sadd.s32 s6, s0  }
0x99: {  	[tilespmem:s12], [sflag:$0x3] =	stream.linear.gather [hbm4b:s11+s1], $0x80, $0x38;
	[tilespmem:$0x10400] =	vst v63  }
0x9a: {  	s22 =	sadd.s32 s2, s30;
	s14 =	spop (v2sf);
	s20 =	simm.s32 $0xCB00  }
0x9b: {  	[tilespmem:s20], [sflag:$0x4] =	stream.linear.gather [hbm4b:s0+s1], $0x80, $0x38;
	[tilespmem:$0x10400] =	vst v63  }
0x9c: {  	s21 =	simm.s32 $0xB80;
	s24 =	simm.s32 $0x4B80;
	s12 =	sand.u32 $0x1FFFFFF0, s14  }
0x9d: {  	[tilespmem:s21], [sflag:$0x1] =	stream.linear.gather [hbm4b:s22+s1], $0x80, $0x38;
	[tilespmem:$0x10400] =	vst v63  }
0x9e: {  	s29 =	simm.s32 $0x2000;
	s11 =	sadd.s32 s5, s30;
	s4 =	sadd.s32 s3, s12  }
0x9f: {  	[tilespmem:s24], [sflag:$0x2] =	stream.linear.gather [hbm4b:s4+s1], $0x80, $0x38;
	[tilespmem:$0x10400] =	vst v63  }
0xa0: {  	s30 =	smov.u32 s25;
	s0 =	simm.s32 $0x0;
	s4 =	simm.s32 $0x8B80  }
.LBB2_3:
0xa1: {  	p0 =	sne.s32 s29, $0xE000  }
0xa2: {  	s30 =	sadd.s32 $0x10, s30;
	s31 =	sadd.s32 $0x10, s31;
	s14 =	smov.u32 s29  }
0xa3: {  	[tilespmem:s4], [sflag:$0x3] =	stream.linear.gather [hbm4b:s11+s1], $0x80, $0x38;
	[tilespmem:$0x10400] =	vst v63  }
0xa4: {  	s29 =	sadd.s32 $0x2000, s29;
	s0 =	sadd.s32 $0xCB80, s0;
	s4 =	sadd.s32 s6, s12  }
0xa5: {  	[tilespmem:s0], [sflag:$0x4] =	stream.linear.gather [hbm4b:s4+s1], $0x80, $0x38;
	[tilespmem:$0x10400] =	vst v63  }
0xa6: {  	v0 =	vld [tilespmem:s30+$0x0]  }
0xa7: {  	v1 =	vld [tilespmem:s31+$0x0];
	_ =	sdelay $0x3  }
0xa8: {  	v0 =	vshll.u32 v0, $0x4  }
0xa9: {  	v1 =	vshll.u32 v1, $0x4;
	(v2sf) =	vpush v0, $0x0  }
0xaa: {  	(v2sf) =	vpush v1, $0x0  }
0xab: {  	(v2sf) =	vpush v1, $0x1;
	_ =	sdelay $0x2  }
0xac: {  	(v2sf) =	vpush v0, $0x1;
	_ =	sdelay $0x1  }
0xad: {  	(v2sf) =	vpush v1, $0x2;
	_ =	sdelay $0x3  }
0xae: {  	(v2sf) =	vpush v0, $0x2;
	_ =	sdelay $0x2  }
0xaf: {  	s0 =	sshra.s32 s14, $0x2  }
0xb0: {  	s4 =	sadd.s32 $0x8B80, s0;
	s11 =	spop (v2sf);
	(v2sf) =	vpush v1, $0x3  }
0xb1: {  	s12 =	sadd.s32 $0x400, s0;
	s11 =	sand.u32 $0x1FFFFFF0, s11;
	s14 =	spop (v2sf)  }
0xb2: {  	s14 =	sand.u32 $0x1FFFFFF0, s14;
	s24 =	spop (v2sf)  }
0xb3: {  	s21 =	sadd.s32 $0x4400, s0;
	s20 =	sadd.s32 s2, s14;
	s24 =	sand.u32 $0x1FFFFFF0, s24  }
0xb4: {  	[tilespmem:s12], [sflag:$0x1] =	stream.linear.gather [hbm4b:s20+s1], $0x80, $0x38;
	(v2sf) =	vpush v0, $0x3;
	[tilespmem:$0x10400] =	vst v63  }
0xb5: {  	s12 =	sadd.s32 s3, s11;
	s20 =	sadd.s32 $0x8400, s0;
	s22 =	spop (v2sf)  }
0xb6: {  	[tilespmem:s21], [sflag:$0x2] =	stream.linear.gather [hbm4b:s12+s1], $0x80, $0x38;
	[tilespmem:$0x10400] =	vst v63  }
0xb7: {  	s12 =	sadd.s32 s5, s14;
	s14 =	sand.u32 $0x1FFFFFF0, s22;
	s21 =	spop (v2sf)  }
0xb8: {  	[tilespmem:s20], [sflag:$0x3] =	stream.linear.gather [hbm4b:s12+s1], $0x80, $0x38;
	(v2sf) =	vpush v1, $0x4;
	[tilespmem:$0x10400] =	vst v63  }
0xb9: {  	s11 =	sadd.s32 s6, s11;
	s12 =	sadd.s32 $0xC400, s0;
	s20 =	sand.u32 $0x1FFFFFF0, s21  }
0xba: {  	[tilespmem:s12], [sflag:$0x4] =	stream.linear.gather [hbm4b:s11+s1], $0x80, $0x38;
	[tilespmem:$0x10400] =	vst v63  }
0xbb: {  	s11 =	sadd.s32 $0x480, s0;
	s12 =	sadd.s32 s2, s24;
	s21 =	spop (v2sf)  }
0xbc: {  	[tilespmem:s11], [sflag:$0x1] =	stream.linear.gather [hbm4b:s12+s1], $0x80, $0x38;
	(v2sf) =	vpush v0, $0x4;
	[tilespmem:$0x10400] =	vst v63  }
0xbd: {  	s11 =	sadd.s32 $0x4480, s0;
	s12 =	sadd.s32 s3, s14;
	s21 =	sand.u32 $0x1FFFFFF0, s21  }
0xbe: {  	[tilespmem:s11], [sflag:$0x2] =	stream.linear.gather [hbm4b:s12+s1], $0x80, $0x38;
	[tilespmem:$0x10400] =	vst v63  }
0xbf: {  	s11 =	sadd.s32 $0x8480, s0;
	s12 =	sadd.s32 s5, s24;
	s22 =	spop (v2sf)  }
0xc0: {  	[tilespmem:s11], [sflag:$0x3] =	stream.linear.gather [hbm4b:s12+s1], $0x80, $0x38;
	(v2sf) =	vpush v1, $0x5;
	[tilespmem:$0x10400] =	vst v63  }
0xc1: {  	s11 =	sadd.s32 $0xC480, s0;
	s12 =	sadd.s32 s6, s14;
	s14 =	sand.u32 $0x1FFFFFF0, s22  }
0xc2: {  	[tilespmem:s11], [sflag:$0x4] =	stream.linear.gather [hbm4b:s12+s1], $0x80, $0x38;
	[tilespmem:$0x10400] =	vst v63  }
0xc3: {  	s11 =	sadd.s32 $0x500, s0;
	s12 =	sadd.s32 s2, s20;
	s22 =	spop (v2sf)  }
0xc4: {  	[tilespmem:s11], [sflag:$0x1] =	stream.linear.gather [hbm4b:s12+s1], $0x80, $0x38;
	(v2sf) =	vpush v0, $0x5;
	[tilespmem:$0x10400] =	vst v63  }
0xc5: {  	s11 =	sadd.s32 $0x4500, s0;
	s12 =	sadd.s32 s3, s21;
	s22 =	sand.u32 $0x1FFFFFF0, s22  }
0xc6: {  	[tilespmem:s11], [sflag:$0x2] =	stream.linear.gather [hbm4b:s12+s1], $0x80, $0x38;
	[tilespmem:$0x10400] =	vst v63  }
0xc7: {  	s11 =	sadd.s32 $0x8500, s0;
	s12 =	sadd.s32 s5, s20;
	s20 =	spop (v2sf)  }
0xc8: {  	[tilespmem:s11], [sflag:$0x3] =	stream.linear.gather [hbm4b:s12+s1], $0x80, $0x38;
	(v2sf) =	vpush v1, $0x6;
	[tilespmem:$0x10400] =	vst v63  }
0xc9: {  	s11 =	sadd.s32 $0xC500, s0;
	s12 =	sadd.s32 s6, s21;
	s20 =	sand.u32 $0x1FFFFFF0, s20  }
0xca: {  	[tilespmem:s11], [sflag:$0x4] =	stream.linear.gather [hbm4b:s12+s1], $0x80, $0x38;
	[tilespmem:$0x10400] =	vst v63  }
0xcb: {  	s11 =	sadd.s32 $0x580, s0;
	s12 =	sadd.s32 s2, s14;
	s21 =	spop (v2sf)  }
0xcc: {  	[tilespmem:s11], [sflag:$0x1] =	stream.linear.gather [hbm4b:s12+s1], $0x80, $0x38;
	(v2sf) =	vpush v0, $0x6;
	[tilespmem:$0x10400] =	vst v63  }
0xcd: {  	s11 =	sadd.s32 $0x4580, s0;
	s12 =	sadd.s32 s3, s22;
	s21 =	sand.u32 $0x1FFFFFF0, s21  }
0xce: {  	[tilespmem:s11], [sflag:$0x2] =	stream.linear.gather [hbm4b:s12+s1], $0x80, $0x38;
	[tilespmem:$0x10400] =	vst v63  }
0xcf: {  	s11 =	sadd.s32 $0x8580, s0;
	s12 =	sadd.s32 s5, s14;
	s14 =	spop (v2sf)  }
0xd0: {  	[tilespmem:s11], [sflag:$0x3] =	stream.linear.gather [hbm4b:s12+s1], $0x80, $0x38;
	(v2sf) =	vpush v1, $0x7;
	[tilespmem:$0x10400] =	vst v63  }
0xd1: {  	s11 =	sadd.s32 $0xC580, s0;
	s12 =	sadd.s32 s6, s22;
	s14 =	sand.u32 $0x1FFFFFF0, s14  }
0xd2: {  	[tilespmem:s11], [sflag:$0x4] =	stream.linear.gather [hbm4b:s12+s1], $0x80, $0x38;
	[tilespmem:$0x10400] =	vst v63  }
0xd3: {  	s11 =	sadd.s32 $0x600, s0;
	s12 =	sadd.s32 s2, s20;
	s22 =	spop (v2sf)  }
0xd4: {  	[tilespmem:s11], [sflag:$0x1] =	stream.linear.gather [hbm4b:s12+s1], $0x80, $0x38;
	(v2sf) =	vpush v0, $0x7;
	[tilespmem:$0x10400] =	vst v63  }
0xd5: {  	s11 =	sadd.s32 $0x4600, s0;
	s12 =	sadd.s32 s3, s21;
	s22 =	sand.u32 $0x1FFFFFF0, s22  }
0xd6: {  	[tilespmem:s11], [sflag:$0x2] =	stream.linear.gather [hbm4b:s12+s1], $0x80, $0x38;
	[tilespmem:$0x10400] =	vst v63  }
0xd7: {  	s11 =	sadd.s32 $0x8600, s0;
	s12 =	sadd.s32 s5, s20;
	s20 =	spop (v2sf)  }
0xd8: {  	[tilespmem:s11], [sflag:$0x3] =	stream.linear.gather [hbm4b:s12+s1], $0x80, $0x38;
	(v2sf) =	vpush v1, $0x8;
	[tilespmem:$0x10400] =	vst v63  }
0xd9: {  	s11 =	sadd.s32 $0xC600, s0;
	s12 =	sadd.s32 s6, s21;
	s20 =	sand.u32 $0x1FFFFFF0, s20  }
0xda: {  	[tilespmem:s11], [sflag:$0x4] =	stream.linear.gather [hbm4b:s12+s1], $0x80, $0x38;
	[tilespmem:$0x10400] =	vst v63  }
0xdb: {  	s11 =	sadd.s32 $0x680, s0;
	s12 =	sadd.s32 s2, s14;
	s21 =	spop (v2sf)  }
0xdc: {  	[tilespmem:s11], [sflag:$0x1] =	stream.linear.gather [hbm4b:s12+s1], $0x80, $0x38;
	(v2sf) =	vpush v0, $0x8;
	[tilespmem:$0x10400] =	vst v63  }
0xdd: {  	s11 =	sadd.s32 $0x4680, s0;
	s12 =	sadd.s32 s3, s22;
	s21 =	sand.u32 $0x1FFFFFF0, s21  }
0xde: {  	[tilespmem:s11], [sflag:$0x2] =	stream.linear.gather [hbm4b:s12+s1], $0x80, $0x38;
	[tilespmem:$0x10400] =	vst v63  }
0xdf: {  	s11 =	sadd.s32 $0x8680, s0;
	s12 =	sadd.s32 s5, s14;
	s14 =	spop (v2sf)  }
0xe0: {  	[tilespmem:s11], [sflag:$0x3] =	stream.linear.gather [hbm4b:s12+s1], $0x80, $0x38;
	(v2sf) =	vpush v1, $0x9;
	[tilespmem:$0x10400] =	vst v63  }
0xe1: {  	s11 =	sadd.s32 $0xC680, s0;
	s12 =	sadd.s32 s6, s22;
	s14 =	sand.u32 $0x1FFFFFF0, s14  }
0xe2: {  	[tilespmem:s11], [sflag:$0x4] =	stream.linear.gather [hbm4b:s12+s1], $0x80, $0x38;
	[tilespmem:$0x10400] =	vst v63  }
0xe3: {  	s11 =	sadd.s32 $0x700, s0;
	s12 =	sadd.s32 s2, s20;
	s22 =	spop (v2sf)  }
0xe4: {  	[tilespmem:s11], [sflag:$0x1] =	stream.linear.gather [hbm4b:s12+s1], $0x80, $0x38;
	(v2sf) =	vpush v0, $0x9;
	[tilespmem:$0x10400] =	vst v63  }
0xe5: {  	s11 =	sadd.s32 $0x4700, s0;
	s12 =	sadd.s32 s3, s21;
	s22 =	sand.u32 $0x1FFFFFF0, s22  }
0xe6: {  	[tilespmem:s11], [sflag:$0x2] =	stream.linear.gather [hbm4b:s12+s1], $0x80, $0x38;
	(v2sf) =	vpush v1, $0xA;
	[tilespmem:$0x10400] =	vst v63  }
0xe7: {  	s11 =	sadd.s32 $0x8700, s0;
	s12 =	sadd.s32 s5, s20;
	s20 =	spop (v2sf)  }
0xe8: {  	[tilespmem:s11], [sflag:$0x3] =	stream.linear.gather [hbm4b:s12+s1], $0x80, $0x38;
	[tilespmem:$0x10400] =	vst v63  }
0xe9: {  	s11 =	sadd.s32 $0xC700, s0;
	s12 =	sadd.s32 s6, s21;
	s20 =	sand.u32 $0x1FFFFFF0, s20  }
0xea: {  	[tilespmem:s11], [sflag:$0x4] =	stream.linear.gather [hbm4b:s12+s1], $0x80, $0x38;
	(v2sf) =	vpush v0, $0xA;
	[tilespmem:$0x10400] =	vst v63  }
0xeb: {  	s11 =	sadd.s32 $0x780, s0;
	s12 =	sadd.s32 s2, s14;
	s21 =	spop (v2sf)  }
0xec: {  	[tilespmem:s11], [sflag:$0x1] =	stream.linear.gather [hbm4b:s12+s1], $0x80, $0x38;
	[tilespmem:$0x10400] =	vst v63  }
0xed: {  	s11 =	sadd.s32 $0x4780, s0;
	s12 =	sadd.s32 s3, s22;
	s21 =	sand.u32 $0x1FFFFFF0, s21  }
0xee: {  	[tilespmem:s11], [sflag:$0x2] =	stream.linear.gather [hbm4b:s12+s1], $0x80, $0x38;
	[tilespmem:$0x10400] =	vst v63  }
0xef: {  	s11 =	sadd.s32 $0x8780, s0;
	s12 =	sadd.s32 s5, s14;
	s14 =	spop (v2sf)  }
0xf0: {  	[tilespmem:s11], [sflag:$0x3] =	stream.linear.gather [hbm4b:s12+s1], $0x80, $0x38;
	(v2sf) =	vpush v1, $0xB;
	[tilespmem:$0x10400] =	vst v63  }
0xf1: {  	s11 =	sadd.s32 $0xC780, s0;
	s12 =	sadd.s32 s6, s22;
	s14 =	sand.u32 $0x1FFFFFF0, s14  }
0xf2: {  	[tilespmem:s11], [sflag:$0x4] =	stream.linear.gather [hbm4b:s12+s1], $0x80, $0x38;
	[tilespmem:$0x10400] =	vst v63  }
0xf3: {  	s11 =	sadd.s32 $0x800, s0;
	s12 =	sadd.s32 s2, s20;
	s22 =	spop (v2sf)  }
0xf4: {  	[tilespmem:s11], [sflag:$0x1] =	stream.linear.gather [hbm4b:s12+s1], $0x80, $0x38;
	(v2sf) =	vpush v0, $0xB;
	[tilespmem:$0x10400] =	vst v63  }
0xf5: {  	s11 =	sadd.s32 $0x4800, s0;
	s12 =	sadd.s32 s3, s21;
	s24 =	spop (v2sf)  }
0xf6: {  	[tilespmem:s11], [sflag:$0x2] =	stream.linear.gather [hbm4b:s12+s1], $0x80, $0x38;
	(v2sf) =	vpush v1, $0xC;
	[tilespmem:$0x10400] =	vst v63  }
0xf7: {  	s11 =	sadd.s32 $0x8800, s0;
	s12 =	sadd.s32 s5, s20;
	s20 =	sand.u32 $0x1FFFFFF0, s24  }
0xf8: {  	[tilespmem:s11], [sflag:$0x3] =	stream.linear.gather [hbm4b:s12+s1], $0x80, $0x38;
	[tilespmem:$0x10400] =	vst v63  }
0xf9: {  	s11 =	sadd.s32 $0xC800, s0;
	s12 =	sadd.s32 s6, s21;
	s21 =	spop (v2sf)  }
0xfa: {  	[tilespmem:s11], [sflag:$0x4] =	stream.linear.gather [hbm4b:s12+s1], $0x80, $0x38;
	(v2sf) =	vpush v0, $0xC;
	[tilespmem:$0x10400] =	vst v63  }
0xfb: {  	s22 =	sand.u32 $0x1FFFFFF0, s22;
	s11 =	sadd.s32 $0x880, s0;
	s12 =	sadd.s32 s2, s14  }
0xfc: {  	[tilespmem:s11], [sflag:$0x1] =	stream.linear.gather [hbm4b:s12+s1], $0x80, $0x38;
	[tilespmem:$0x10400] =	vst v63  }
0xfd: {  	s21 =	sand.u32 $0x1FFFFFF0, s21;
	s11 =	sadd.s32 $0x4880, s0;
	s12 =	sadd.s32 s3, s22  }
0xfe: {  	[tilespmem:s11], [sflag:$0x2] =	stream.linear.gather [hbm4b:s12+s1], $0x80, $0x38;
	(v2sf) =	vpush v1, $0xD;
	[tilespmem:$0x10400] =	vst v63  }
0xff: {  	s11 =	sadd.s32 $0x8880, s0;
	s12 =	sadd.s32 s5, s14;
	s14 =	spop (v2sf)  }
0x100: {  	[tilespmem:s11], [sflag:$0x3] =	stream.linear.gather [hbm4b:s12+s1], $0x80, $0x38;
	[tilespmem:$0x10400] =	vst v63  }
0x101: {  	s11 =	sadd.s32 $0xC880, s0;
	s12 =	sadd.s32 s6, s22;
	s14 =	sand.u32 $0x1FFFFFF0, s14  }
0x102: {  	[tilespmem:s11], [sflag:$0x4] =	stream.linear.gather [hbm4b:s12+s1], $0x80, $0x38;
	(v2sf) =	vpush v0, $0xD;
	[tilespmem:$0x10400] =	vst v63  }
0x103: {  	s11 =	sadd.s32 $0x900, s0;
	s12 =	sadd.s32 s2, s20;
	s22 =	spop (v2sf)  }
0x104: {  	[tilespmem:s11], [sflag:$0x1] =	stream.linear.gather [hbm4b:s12+s1], $0x80, $0x38;
	[tilespmem:$0x10400] =	vst v63  }
0x105: {  	s11 =	sadd.s32 $0x4900, s0;
	s12 =	sadd.s32 s3, s21;
	s24 =	spop (v2sf)  }
0x106: {  	[tilespmem:s11], [sflag:$0x2] =	stream.linear.gather [hbm4b:s12+s1], $0x80, $0x38;
	[tilespmem:$0x10400] =	vst v63  }
0x107: {  	s11 =	sadd.s32 $0x8900, s0;
	s12 =	sadd.s32 s5, s20;
	s20 =	sand.u32 $0x1FFFFFF0, s24  }
0x108: {  	[tilespmem:s11], [sflag:$0x3] =	stream.linear.gather [hbm4b:s12+s1], $0x80, $0x38;
	(v2sf) =	vpush v1, $0xE;
	[tilespmem:$0x10400] =	vst v63  }
0x109: {  	s11 =	sadd.s32 $0xC900, s0;
	s12 =	sadd.s32 s6, s21;
	s21 =	spop (v2sf)  }
0x10a: {  	[tilespmem:s11], [sflag:$0x4] =	stream.linear.gather [hbm4b:s12+s1], $0x80, $0x38;
	[tilespmem:$0x10400] =	vst v63  }
0x10b: {  	s22 =	sand.u32 $0x1FFFFFF0, s22;
	s11 =	sadd.s32 $0x980, s0;
	s12 =	sadd.s32 s2, s14  }
0x10c: {  	[tilespmem:s11], [sflag:$0x1] =	stream.linear.gather [hbm4b:s12+s1], $0x80, $0x38;
	(v2sf) =	vpush v0, $0xE;
	[tilespmem:$0x10400] =	vst v63  }
0x10d: {  	s11 =	sadd.s32 $0x4980, s0;
	s12 =	sadd.s32 s3, s22;
	s24 =	spop (v2sf)  }
0x10e: {  	[tilespmem:s11], [sflag:$0x2] =	stream.linear.gather [hbm4b:s12+s1], $0x80, $0x38;
	[tilespmem:$0x10400] =	vst v63  }
0x10f: {  	s11 =	sadd.s32 $0x8980, s0;
	s12 =	sadd.s32 s5, s14;
	s14 =	sand.u32 $0x1FFFFFF0, s24  }
0x110: {  	[tilespmem:s11], [sflag:$0x3] =	stream.linear.gather [hbm4b:s12+s1], $0x80, $0x38;
	(v2sf) =	vpush v1, $0xF;
	[tilespmem:$0x10400] =	vst v63  }
0x111: {  	s11 =	sadd.s32 $0xC980, s0;
	s12 =	sadd.s32 s6, s22;
	s22 =	spop (v2sf)  }
0x112: {  	[tilespmem:s11], [sflag:$0x4] =	stream.linear.gather [hbm4b:s12+s1], $0x80, $0x38;
	[tilespmem:$0x10400] =	vst v63  }
0x113: {  	s21 =	sand.u32 $0x1FFFFFF0, s21;
	s11 =	sadd.s32 $0xA00, s0;
	s12 =	sadd.s32 s2, s20  }
0x114: {  	[tilespmem:s11], [sflag:$0x1] =	stream.linear.gather [hbm4b:s12+s1], $0x80, $0x38;
	(v2sf) =	vpush v0, $0xF;
	[tilespmem:$0x10400] =	vst v63  }
0x115: {  	s22 =	sand.u32 $0x1FFFFFF0, s22;
	s11 =	sadd.s32 $0x4A00, s0;
	s12 =	sadd.s32 s3, s21  }
0x116: {  	[tilespmem:s11], [sflag:$0x2] =	stream.linear.gather [hbm4b:s12+s1], $0x80, $0x38;
	[tilespmem:$0x10400] =	vst v63  }
0x117: {  	s11 =	sadd.s32 $0x8A00, s0;
	s12 =	sadd.s32 s5, s20;
	s20 =	spop (v2sf)  }
0x118: {  	[tilespmem:s11], [sflag:$0x3] =	stream.linear.gather [hbm4b:s12+s1], $0x80, $0x38;
	[tilespmem:$0x10400] =	vst v63  }
0x119: {  	s11 =	sadd.s32 $0xCA00, s0;
	s12 =	sadd.s32 s6, s21;
	s20 =	sand.u32 $0x1FFFFFF0, s20  }
0x11a: {  	[tilespmem:s11], [sflag:$0x4] =	stream.linear.gather [hbm4b:s12+s1], $0x80, $0x38;
	[tilespmem:$0x10400] =	vst v63  }
0x11b: {  	s11 =	sadd.s32 $0xA80, s0;
	s12 =	sadd.s32 s2, s14;
	s21 =	spop (v2sf)  }
0x11c: {  	[tilespmem:s11], [sflag:$0x1] =	stream.linear.gather [hbm4b:s12+s1], $0x80, $0x38;
	[tilespmem:$0x10400] =	vst v63  }
0x11d: {  	s11 =	sadd.s32 $0x4A80, s0;
	s12 =	sadd.s32 s3, s22;
	s21 =	sand.u32 $0x1FFFFFF0, s21  }
0x11e: {  	[tilespmem:s11], [sflag:$0x2] =	stream.linear.gather [hbm4b:s12+s1], $0x80, $0x38;
	[tilespmem:$0x10400] =	vst v63  }
0x11f: {  	s11 =	sadd.s32 $0x8A80, s0;
	s12 =	sadd.s32 s5, s14;
	s14 =	spop (v2sf)  }
0x120: {  	[tilespmem:s11], [sflag:$0x3] =	stream.linear.gather [hbm4b:s12+s1], $0x80, $0x38;
	[tilespmem:$0x10400] =	vst v63  }
0x121: {  	s11 =	sadd.s32 $0xCA80, s0;
	s12 =	sadd.s32 s6, s22;
	s14 =	sand.u32 $0x1FFFFFF0, s14  }
0x122: {  	[tilespmem:s11], [sflag:$0x4] =	stream.linear.gather [hbm4b:s12+s1], $0x80, $0x38;
	[tilespmem:$0x10400] =	vst v63  }
0x123: {  	s11 =	sadd.s32 $0xB00, s0;
	s12 =	sadd.s32 s2, s20;
	s22 =	spop (v2sf)  }
0x124: {  	[tilespmem:s11], [sflag:$0x1] =	stream.linear.gather [hbm4b:s12+s1], $0x80, $0x38;
	[tilespmem:$0x10400] =	vst v63  }
0x125: {  	s24 =	sadd.s32 s3, s21;
	s12 =	sadd.s32 $0x4B00, s0;
	s11 =	sadd.s32 s5, s14  }
0x126: {  	[tilespmem:s12], [sflag:$0x2] =	stream.linear.gather [hbm4b:s24+s1], $0x80, $0x38;
	[tilespmem:$0x10400] =	vst v63  }
0x127: {  	s20 =	sadd.s32 s5, s20;
	s12 =	sadd.s32 $0x8B00, s0  }
0x128: {  	[tilespmem:s12], [sflag:$0x3] =	stream.linear.gather [hbm4b:s20+s1], $0x80, $0x38;
	[tilespmem:$0x10400] =	vst v63  }
0x129: {  	s12 =	sadd.s32 $0xCB00, s0;
	s20 =	sadd.s32 s6, s21  }
0x12a: {  	[tilespmem:s12], [sflag:$0x4] =	stream.linear.gather [hbm4b:s20+s1], $0x80, $0x38;
	[tilespmem:$0x10400] =	vst v63  }
.Ltmp0:
0x12b: {  	_ = 	snop;
	(pc) =	sbr.rel @p0 .LBB2_3-.Ltmp0, $4  }
0x12c: {  	s14 =	sadd.s32 s2, s14;
	s20 =	sadd.s32 $0xB80, s0;
	s12 =	sand.u32 $0x1FFFFFF0, s22  }
0x12d: {  	[tilespmem:s20], [sflag:$0x1] =	stream.linear.gather [hbm4b:s14+s1], $0x80, $0x38;
	[tilespmem:$0x10400] =	vst v63  }
0x12e: {  	s14 =	sadd.s32 $0x4B80, s0;
	s20 =	sadd.s32 s3, s12  }
0x12f: {  	[tilespmem:s14], [sflag:$0x2] =	stream.linear.gather [hbm4b:s20+s1], $0x80, $0x38;
	[tilespmem:$0x10400] =	vst v63  }
0x130: {  	[tilespmem:s4], [sflag:$0x3] =	stream.linear.gather [hbm4b:s11+s1], $0x80, $0x38;
	[tilespmem:$0x10400] =	vst v63  }
0x131: {  	s0 =	sadd.s32 $0xCB80, s0;
	s14 =	sadd.s32 s6, s12  }
0x132: {  	[tilespmem:s0], [sflag:$0x4] =	stream.linear.gather [hbm4b:s14+s1], $0x80, $0x38;
	[tilespmem:$0x10400] =	vst v63  }
0x133: {  	_ =	swait.ge [sflag:s16], $0x4000  }
0x134: {  	[sflag:s16] =	ssyncset.done $0x0  }
0x135: {  	[sflag:s16] =	ssyncadd.s32 $0xFFFFC000  }
0x136: {  	_ =	swait.ge [sflag:s17], $0x4000  }
0x137: {  	[sflag:s17] =	ssyncset.done $0x0  }
0x138: {  	[sflag:s17] =	ssyncadd.s32 $0xFFFFC000  }
0x139: {  	_ =	swait.ge [sflag:s18], $0x4000  }
0x13a: {  	[sflag:s18] =	ssyncset.done $0x0  }
0x13b: {  	[sflag:s18] =	ssyncadd.s32 $0xFFFFC000  }
0x13c: {  	s20 =	sshll.u32 s28, $0xB;
	_ =	swait.ge [sflag:s19], $0x4000  }
0x13d: {  	s0 =	sadd.s32 s13, s20;
	[sflag:s19] =	ssyncset.done $0x0  }
0x13e: {  	s22 =	simm.s32 $0x400;
	s21 =	sadd.s32 s7, s0;
	[sflag:s19] =	ssyncadd.s32 $0xFFFFC000  }
0x13f: {  	[hbm4b:s21+s1] =	stream.linear.scatter [tilespmem:s22], [sflag:$0x5], $0x4000, $0x38;
	[tilespmem:$0x10400] =	vst v63  }
0x140: {  	_ =	swait.ge [sflag:s15], $0x4000  }
0x141: {  	[sflag:s15] =	ssyncset.done $0x0  }
0x142: {  	s29 =	simm.s32 $0x4400;
	s24 =	sadd.s32 s8, s0;
	[sflag:s15] =	ssyncadd.s32 $0xFFFFC000  }
0x143: {  	[hbm4b:s24+s1] =	stream.linear.scatter [tilespmem:s29], [sflag:$0x5], $0x4000, $0x38;
	[tilespmem:$0x10400] =	vst v63  }
0x144: {  	_ =	swait.ge [sflag:s15], $0x4000  }
0x145: {  	[sflag:s15] =	ssyncset.done $0x0  }
0x146: {  	s31 =	simm.s32 $0x8400;
	s30 =	sadd.s32 s9, s0;
	[sflag:s15] =	ssyncadd.s32 $0xFFFFC000  }
0x147: {  	[hbm4b:s30+s1] =	stream.linear.scatter [tilespmem:s31], [sflag:$0x5], $0x4000, $0x38;
	[tilespmem:$0x10400] =	vst v63  }
0x148: {  	s28 =	sadd.s32 $0x1, s28;
	_ =	swait.ge [sflag:s15], $0x4000  }
0x149: {  	p0 =	sne.s32 s28, $0x4;
	[sflag:s15] =	ssyncset.done $0x0  }
.Ltmp1:
0x14a: {  	s0 =	sadd.s32 s10, s0;
	[sflag:s15] =	ssyncadd.s32 $0xFFFFC000;
	(pc) =	sbr.rel @p0 .LBB2_2-.Ltmp1, $4  }
0x14b: {  	[hbm4b:s0+s1] =	stream.linear.scatter [tilespmem:s23], [sflag:$0x5], $0x4000, $0x38;
	[tilespmem:$0x10400] =	vst v63  }
0x14c: {  	_ =	swait.ge [sflag:s15], $0x4000  }
0x14d: {  	[sflag:s15] =	ssyncset.done $0x0  }
0x14e: {  	s25 =	sadd.s32 $0x80, s25;
	s26 =	sadd.s32 $0x80, s26;
	[sflag:s15] =	ssyncadd.s32 $0xFFFFC000  }
0x14f: {  	s4 =	rddreg [dreg:$0x7]  }
0x150: {  	s0 =	rddreg [dreg:$0x6];
	s4 =	sadd.s32 $0x1, s4  }
0x151: {  	p0 =	sne.s32 s4, s0  }
.Ltmp2:
0x152: {  	_ = 	snop;
	(pc) =	sbr.rel @p0 .LBB2_1-.Ltmp2, $1  }
0x153: {  	_ =	sdelay $0x3  }
0x154: {  	_ =	sfence.sel $0x180000  }
0x155: {  	[bflag:$0x0] =	sbarrier.arrive $0xFFFF  }
0x156: {  	_ =	strace $0x90000047  }
0x157: {  	s0 =	stileid.u32;
	[bflag:$0x2] =	sbarrier.arrive $0xFFFF  }
0x158: {  	p0 =	sne.s32 s0, $0x0;
	s0 =	rddreg [dreg:$0x3]  }
0x159: {  	s0 =	sadd.s32 @!p0 $0x100000, s0  }
0x15a: {  	[sflag:s0] =	ssyncadd.tile.s32 @!p0 $0x1;
	_ =	shalt  }
.Lfunc_end2:
_tile_overlayer_lowered:
.L_overlay_start_2:
0x15b: {  	(tag) =	ssettag $0x2  }
0x15c: {  	s0 =	rddreg [dreg:$0x0];
	s2 =	stileid.u32  }
0x15d: {  	s1 =	rddreg [dreg:$0x1];
	p0 =	sne.s32 s2, $0x0  }
0x15e: {  	s3 =	rddreg [dreg:$0x2];
	[bflag:$0x3] =	sbarrier.arrive $0xFFFF;
	s2 =	simm.s32 @!p0 $0x1C05  }
0x15f: {  	[timem:s3], [sflag:s2] =	dma.local @!p0 [hbm:s0], s1  }
0x160: {  	s0 =	simm.s32 @!p0 $0x5  }
0x161: {  	_ =	swait.ge @!p0 [sflag:s0], s1  }
0x162: {  	s1 =	ssub.s32 @!p0 $0x0, s1;
	[sflag:s0] =	ssyncset.done @!p0 $0x0  }
0x163: {  	[sflag:s0] =	ssyncadd.s32 @!p0 s1  }
0x164: {  	[bflag:$0x3] =	sbarrier.arrive $0xFFFF  }
0x165: {  	_ =	shalt  }

</sc_bundles>
